<compile_context>
chip_gen: v7x
topology: tpu7x:2x2x1
jax: 0.10.2.dev20260603
libtpu: 0.0.44.dev20260713+nightly
codegen_flags: <defaults>
</compile_context>

<pallas_src>
import functools

import jax
import jax.numpy as jnp
from jax import lax
from jax.experimental import pallas as pl
from jax.experimental.pallas import tpu as pltpu
from jax.experimental.pallas import tpu_sc as plsc

VOCAB = 100000
EMBED = 128
HIDDEN = 256
CLASSES = 64
BATCH = 4096
SEQ = 50

NC = 2
NS = 16
NW = NC * NS
B_PER_W = BATCH // NW
G = 2
NG = B_PER_W // G
LANES = 16
NCHUNK = EMBED // LANES


def _sc_pool(x_grouped, emb):
    mesh = plsc.VectorSubcoreMesh(core_axis_name="c", subcore_axis_name="s")

    ng = x_grouped.shape[1]
    b_per_w = ng * G
    bsz = NW * b_per_w
    NBUF = 4

    @functools.partial(
        pl.kernel,
        mesh=mesh,
        out_type=jax.ShapeDtypeStruct((bsz, EMBED), jnp.float32),
        scratch_types=[
            pltpu.VMEM((ng, G * SEQ), jnp.int32),
            pltpu.VMEM((b_per_w, EMBED), jnp.float32),
        ]
        + [pltpu.VMEM((G * SEQ, EMBED), jnp.float32) for _ in range(NBUF)]
        + [pltpu.SemaphoreType.DMA for _ in range(NBUF)],
    )
    def k(x_hbm, emb_hbm, out_hbm, idx_v, pooled_v, *bufs_and_sems):
        bufs = bufs_and_sems[:NBUF]
        sems = bufs_and_sems[NBUF:]
        wid = lax.axis_index("s") * NC + lax.axis_index("c")
        pltpu.sync_copy(x_hbm.at[wid], idx_v)

        def start(g, b):
            pltpu.async_copy(emb_hbm.at[idx_v.at[g]], bufs[b], sems[b])

        def wait(g, b):
            pltpu.make_async_copy(emb_hbm.at[idx_v.at[g]], bufs[b], sems[b]).wait()

        def accumulate(g, b):
            rows_v = bufs[b]
            for r in range(G):
                def tok_body(j, acc):
                    return tuple(
                        acc[d] + rows_v[r * SEQ + j, pl.ds(d * LANES, LANES)]
                        for d in range(NCHUNK)
                    )
                acc0 = tuple(
                    rows_v[r * SEQ, pl.ds(d * LANES, LANES)]
                    for d in range(NCHUNK)
                )
                acc = lax.fori_loop(1, SEQ, tok_body, acc0)
                for d in range(NCHUNK):
                    pooled_v[g * G + r, pl.ds(d * LANES, LANES)] = acc[d]

        for b in range(NBUF):
            start(b, b)

        def outer(i, _):
            g0 = i * NBUF
            for b in range(NBUF):
                g = g0 + b
                wait(g, b)
                accumulate(g, b)
                nxt = g + NBUF

                @pl.when(nxt < ng)
                def _():
                    start(nxt, b)
            return ()

        lax.fori_loop(0, ng // NBUF, outer, ())
        pltpu.sync_copy(pooled_v, out_hbm.at[pl.ds(wid * b_per_w, b_per_w)])

    return k(x_grouped, emb)


def _tc_mlp(pooled, W1, b1, W2, b2):
    BB = 2048

    def body(p_ref, w1_ref, b1_ref, w2_ref, b2_ref, o_ref):
        m = p_ref[...] * (1.0 / SEQ)
        h = lax.dot_general(m, w1_ref[...], (((1,), (1,)), ((), ())),
                            preferred_element_type=jnp.float32) + b1_ref[...]
        z = lax.dot_general(h, w2_ref[...], (((1,), (1,)), ((), ())),
                            preferred_element_type=jnp.float32) + b2_ref[...]
        z = z - jnp.max(z, axis=-1, keepdims=True)
        e = jnp.exp(z)
        o_ref[...] = e / jnp.sum(e, axis=-1, keepdims=True)

    bsz = pooled.shape[0]
    return pl.pallas_call(
        body,
        grid=(bsz // BB,),
        in_specs=[
            pl.BlockSpec((BB, EMBED), lambda i: (i, 0)),
            pl.BlockSpec((HIDDEN, EMBED), lambda i: (0, 0)),
            pl.BlockSpec((1, HIDDEN), lambda i: (0, 0)),
            pl.BlockSpec((CLASSES, HIDDEN), lambda i: (0, 0)),
            pl.BlockSpec((1, CLASSES), lambda i: (0, 0)),
        ],
        out_specs=pl.BlockSpec((BB, CLASSES), lambda i: (i, 0)),
        out_shape=jax.ShapeDtypeStruct((bsz, CLASSES), jnp.float32),
    )(pooled, W1, b1.reshape(1, HIDDEN), W2, b2.reshape(1, CLASSES))


def kernel(x, emb, W1, b1, W2, b2):
    x_grouped = x.reshape(NW, NG, G * SEQ)
    pooled = _sc_pool(x_grouped, emb)
    return _tc_mlp(pooled, W1, b1, W2, b2)

# --- scband reference (transcript-rebuilt; emitter-appended) ---
"""Pipeline reference for scband-fast-text-72670846648804 (READ-ONLY COPY).

The authoritative reference and input builder live on the scoring server;
editing this copy changes nothing except your own understanding.
"""

import jax, jax.numpy as jnp
import numpy as np

VOCAB = 100000
EMBED = 128
HIDDEN = 256
CLASSES = 64
BATCH = 4096
SEQ = 50


def setup_inputs(seed: int = 0) -> dict:
    key = jax.random.key(seed)
    k1, k2, k3, k4, k5 = jax.random.split(key, 5)
    x = jax.random.randint(k1, (BATCH, SEQ), 0, VOCAB, dtype=jnp.int32)
    emb = jax.random.normal(k2, (VOCAB, EMBED), dtype=jnp.float32) * 0.02
    W1 = jax.random.normal(k3, (HIDDEN, EMBED), dtype=jnp.float32) * 0.05
    b1 = jnp.zeros((HIDDEN,), dtype=jnp.float32)
    W2 = jax.random.normal(k4, (CLASSES, HIDDEN), dtype=jnp.float32) * 0.05
    b2 = jnp.zeros((CLASSES,), dtype=jnp.float32)
    return {"x": x, "emb": emb, "W1": W1, "b1": b1, "W2": W2, "b2": b2}


def reference(x, emb, W1, b1, W2, b2):
    # embedding lookup: [B, S, D]
    e = jnp.take(emb, x, axis=0)
    # mean over sequence dim (fastText bag-of-words)
    m = jnp.mean(e, axis=1)
    # fc1 (no activation in original module)
    h = m @ W1.T + b1
    # fc2
    z = h @ W2.T + b2
    # softmax over classes
    return jax.nn.softmax(z, axis=-1)

if __name__ == "__main__":
    import jax
    _d = setup_inputs()
    print(jax.jit(kernel)(*tuple(_d.values())))

</pallas_src>

<mosaic_0001>
#map = affine_map<(d0, d1) -> (0, 0, 0)>
#map1 = affine_map<(d0, d1) -> (0, 0)>
module attributes {stable_mosaic.version = 14 : i64} {
  func.func @k(%arg0: i32, %arg1: i32, %arg2: memref<32x64x100xi32, #tpu.memory_space<hbm>>, %arg3: memref<100000x128xf32, #tpu.memory_space<hbm>>, %arg4: memref<4096x128xf32, #tpu.memory_space<hbm>>, %arg5: memref<64x100xi32, #tpu.memory_space<vmem>>, %arg6: memref<128x128xf32, #tpu.memory_space<vmem>>, %arg7: memref<100x128xf32, #tpu.memory_space<vmem>>, %arg8: memref<100x128xf32, #tpu.memory_space<vmem>>, %arg9: memref<100x128xf32, #tpu.memory_space<vmem>>, %arg10: memref<100x128xf32, #tpu.memory_space<vmem>>, %arg11: memref<!tpu.dma_semaphore, #tpu.memory_space<semaphore_mem>>, %arg12: memref<!tpu.dma_semaphore, #tpu.memory_space<semaphore_mem>>, %arg13: memref<!tpu.dma_semaphore, #tpu.memory_space<semaphore_mem>>, %arg14: memref<!tpu.dma_semaphore, #tpu.memory_space<semaphore_mem>>) attributes {dimension_semantics = [#tpu.dimension_semantics<core_parallel>, #tpu.dimension_semantics<subcore_parallel>], iteration_bounds = array<i64: 2, 16>, scalar_prefetch = 0 : i64, scratch_operands = 10 : i64, tpu.core_type = #tpu.core_type<sc_vector_subcore>, window_params = [{transform_indices = #map}, {transform_indices = #map1}, {transform_indices = #map1}]} {
    %mul3A = arith.constant 2 : i32
    %mul3A_0 = arith.muli %arg1, %mul3A : i32
    %add3A = arith.addi %mul3A_0, %arg0 : i32
    "tpu.region"() ({
      %run_scoped3A = tpu.sem_alloc : memref<!tpu.dma_semaphore, #tpu.memory_space<semaphore_mem>>
      %dma_start3A_34 = arith.constant 0 : i32
      %dma_start3A_35 = arith.constant 0 : i32
      %dma_start3A_36 = tpu.memref_slice %arg2[%add3A, %dma_start3A_34, %dma_start3A_35] : memref<32x64x100xi32, #tpu.memory_space<hbm>> -> memref<1x64x100xi32, #tpu.memory_space<hbm>>
      %dma_start3A_37 = tpu.memref_squeeze %dma_start3A_36 : memref<1x64x100xi32, #tpu.memory_space<hbm>> -> memref<64x100xi32, #tpu.memory_space<hbm>>
      %dma_start3A_38 = arith.constant 0 : i32
      %dma_start3A_39 = arith.constant 0 : i32
      %dma_start3A_40 = tpu.memref_slice %arg2[%add3A, %dma_start3A_38, %dma_start3A_39] : memref<32x64x100xi32, #tpu.memory_space<hbm>> -> memref<1x64x100xi32, #tpu.memory_space<hbm>>
      %dma_start3A_41 = tpu.memref_squeeze %dma_start3A_40 : memref<1x64x100xi32, #tpu.memory_space<hbm>> -> memref<64x100xi32, #tpu.memory_space<hbm>>
      tpu.enqueue_dma source(%dma_start3A_41 : memref<64x100xi32, #tpu.memory_space<hbm>>) target(%arg5 : memref<64x100xi32, #tpu.memory_space<vmem>>) target_semaphore(%run_scoped3A : memref<!tpu.dma_semaphore, #tpu.memory_space<semaphore_mem>>)
      %dma_wait3A = arith.constant 0 : i32
      %dma_wait3A_42 = arith.constant 0 : i32
      %dma_wait3A_43 = tpu.memref_slice %arg2[%add3A, %dma_wait3A, %dma_wait3A_42] : memref<32x64x100xi32, #tpu.memory_space<hbm>> -> memref<1x64x100xi32, #tpu.memory_space<hbm>>
      %dma_wait3A_44 = tpu.memref_squeeze %dma_wait3A_43 : memref<1x64x100xi32, #tpu.memory_space<hbm>> -> memref<64x100xi32, #tpu.memory_space<hbm>>
      %dma_wait3A_45 = arith.constant 0 : i32
      %dma_wait3A_46 = arith.constant 0 : i32
      %dma_wait3A_47 = tpu.memref_slice %arg2[%add3A, %dma_wait3A_45, %dma_wait3A_46] : memref<32x64x100xi32, #tpu.memory_space<hbm>> -> memref<1x64x100xi32, #tpu.memory_space<hbm>>
      %dma_wait3A_48 = tpu.memref_squeeze %dma_wait3A_47 : memref<1x64x100xi32, #tpu.memory_space<hbm>> -> memref<64x100xi32, #tpu.memory_space<hbm>>
      tpu.wait_dma2 semaphore(%run_scoped3A : memref<!tpu.dma_semaphore, #tpu.memory_space<semaphore_mem>>) src(%dma_wait3A_48 : memref<64x100xi32, #tpu.memory_space<hbm>>) dst(%arg5 : memref<64x100xi32, #tpu.memory_space<vmem>>)
      tpu.yield
    }) : () -> ()
    %dma_start3A = arith.constant 0 : i32
    %dma_start3A_1 = arith.constant 0 : i32
    %dma_start3A_2 = tpu.memref_slice %arg5[%dma_start3A, %dma_start3A_1] : memref<64x100xi32, #tpu.memory_space<vmem>> -> memref<1x100xi32, #tpu.memory_space<vmem>>
    %dma_start3A_3 = tpu.memref_squeeze %dma_start3A_2 : memref<1x100xi32, #tpu.memory_space<vmem>> -> memref<100xi32, #tpu.memory_space<vmem>>
    %dma_start3A_4 = arith.constant 0 : i32
    %dma_start3A_5 = arith.constant 0 : i32
    %dma_start3A_6 = tpu.memref_slice %arg3[%dma_start3A_4, %dma_start3A_5] : memref<100000x128xf32, #tpu.memory_space<hbm>> -> memref<100000x128xf32, #tpu.memory_space<hbm>>
    tpu.enqueue_indirect_dma source(%dma_start3A_6 : memref<100000x128xf32, #tpu.memory_space<hbm>>) target(%arg7 : memref<100x128xf32, #tpu.memory_space<vmem>>) offsets(%dma_start3A_3 : memref<100xi32, #tpu.memory_space<vmem>>) semaphore(%arg11 : memref<!tpu.dma_semaphore, #tpu.memory_space<semaphore_mem>>)
    %dma_start3A_7 = arith.constant 1 : i32
    %dma_start3A_8 = arith.constant 0 : i32
    %dma_start3A_9 = tpu.memref_slice %arg5[%dma_start3A_7, %dma_start3A_8] : memref<64x100xi32, #tpu.memory_space<vmem>> -> memref<1x100xi32, #tpu.memory_space<vmem>>
    %dma_start3A_10 = tpu.memref_squeeze %dma_start3A_9 : memref<1x100xi32, #tpu.memory_space<vmem>> -> memref<100xi32, #tpu.memory_space<vmem>>
    %dma_start3A_11 = arith.constant 0 : i32
    %dma_start3A_12 = arith.constant 0 : i32
    %dma_start3A_13 = tpu.memref_slice %arg3[%dma_start3A_11, %dma_start3A_12] : memref<100000x128xf32, #tpu.memory_space<hbm>> -> memref<100000x128xf32, #tpu.memory_space<hbm>>
    tpu.enqueue_indirect_dma source(%dma_start3A_13 : memref<100000x128xf32, #tpu.memory_space<hbm>>) target(%arg8 : memref<100x128xf32, #tpu.memory_space<vmem>>) offsets(%dma_start3A_10 : memref<100xi32, #tpu.memory_space<vmem>>) semaphore(%arg12 : memref<!tpu.dma_semaphore, #tpu.memory_space<semaphore_mem>>)
    %dma_start3A_14 = arith.constant 2 : i32
    %dma_start3A_15 = arith.constant 0 : i32
    %dma_start3A_16 = tpu.memref_slice %arg5[%dma_start3A_14, %dma_start3A_15] : memref<64x100xi32, #tpu.memory_space<vmem>> -> memref<1x100xi32, #tpu.memory_space<vmem>>
    %dma_start3A_17 = tpu.memref_squeeze %dma_start3A_16 : memref<1x100xi32, #tpu.memory_space<vmem>> -> memref<100xi32, #tpu.memory_space<vmem>>
    %dma_start3A_18 = arith.constant 0 : i32
    %dma_start3A_19 = arith.constant 0 : i32
    %dma_start3A_20 = tpu.memref_slice %arg3[%dma_start3A_18, %dma_start3A_19] : memref<100000x128xf32, #tpu.memory_space<hbm>> -> memref<100000x128xf32, #tpu.memory_space<hbm>>
    tpu.enqueue_indirect_dma source(%dma_start3A_20 : memref<100000x128xf32, #tpu.memory_space<hbm>>) target(%arg9 : memref<100x128xf32, #tpu.memory_space<vmem>>) offsets(%dma_start3A_17 : memref<100xi32, #tpu.memory_space<vmem>>) semaphore(%arg13 : memref<!tpu.dma_semaphore, #tpu.memory_space<semaphore_mem>>)
    %dma_start3A_21 = arith.constant 3 : i32
    %dma_start3A_22 = arith.constant 0 : i32
    %dma_start3A_23 = tpu.memref_slice %arg5[%dma_start3A_21, %dma_start3A_22] : memref<64x100xi32, #tpu.memory_space<vmem>> -> memref<1x100xi32, #tpu.memory_space<vmem>>
    %dma_start3A_24 = tpu.memref_squeeze %dma_start3A_23 : memref<1x100xi32, #tpu.memory_space<vmem>> -> memref<100xi32, #tpu.memory_space<vmem>>
    %dma_start3A_25 = arith.constant 0 : i32
    %dma_start3A_26 = arith.constant 0 : i32
    %dma_start3A_27 = tpu.memref_slice %arg3[%dma_start3A_25, %dma_start3A_26] : memref<100000x128xf32, #tpu.memory_space<hbm>> -> memref<100000x128xf32, #tpu.memory_space<hbm>>
    tpu.enqueue_indirect_dma source(%dma_start3A_27 : memref<100000x128xf32, #tpu.memory_space<hbm>>) target(%arg10 : memref<100x128xf32, #tpu.memory_space<vmem>>) offsets(%dma_start3A_24 : memref<100xi32, #tpu.memory_space<vmem>>) semaphore(%arg14 : memref<!tpu.dma_semaphore, #tpu.memory_space<semaphore_mem>>)
    %scan3A = arith.constant 0 : i32
    %scan3A_28 = arith.constant 16 : i32
    %scan3A_29 = arith.addi %scan3A, %scan3A_28 : i32
    %scan3A_30 = arith.constant 1 : i32
    scf.for %scan3A_34 = %scan3A to %scan3A_29 step %scan3A_30  : i32 {
      %mul3A_35 = arith.constant 4 : i32
      %mul3A_36 = arith.muli %scan3A_34, %mul3A_35 : i32
      %add3A_37 = arith.constant 0 : i32
      %add3A_38 = arith.addi %mul3A_36, %add3A_37 : i32
      %dma_wait3A = arith.constant 0 : i32
      %dma_wait3A_39 = tpu.memref_slice %arg5[%add3A_38, %dma_wait3A] : memref<64x100xi32, #tpu.memory_space<vmem>> -> memref<1x100xi32, #tpu.memory_space<vmem>>
      %dma_wait3A_40 = tpu.memref_squeeze %dma_wait3A_39 : memref<1x100xi32, #tpu.memory_space<vmem>> -> memref<100xi32, #tpu.memory_space<vmem>>
      %dma_wait3A_41 = arith.constant 0 : i32
      %dma_wait3A_42 = arith.constant 0 : i32
      %dma_wait3A_43 = tpu.memref_slice %arg3[%dma_wait3A_41, %dma_wait3A_42] : memref<100000x128xf32, #tpu.memory_space<hbm>> -> memref<100000x128xf32, #tpu.memory_space<hbm>>
      tpu.wait_indirect_dma semaphore(%arg11 : memref<!tpu.dma_semaphore, #tpu.memory_space<semaphore_mem>>) src(%dma_wait3A_43 : memref<100000x128xf32, #tpu.memory_space<hbm>>) dst(%arg7 : memref<100x128xf32, #tpu.memory_space<vmem>>)
      %get3A = arith.constant 0 : i32
      %get3A_44 = arith.index_cast %get3A : i32 to index
      %get3A_45 = arith.constant 0 : index
      %get3A_46 = tpu.vector_load %arg7[%get3A_44, %get3A_45] {strides = array<i32>} : memref<100x128xf32, #tpu.memory_space<vmem>>, vector<1x16xf32>,
      %get3A_47 = vector.shape_cast %get3A_46 : vector<1x16xf32> to vector<16xf32>
      %get3A_48 = arith.constant 0 : i32
      %get3A_49 = arith.index_cast %get3A_48 : i32 to index
      %get3A_50 = arith.constant 16 : index
      %get3A_51 = tpu.vector_load %arg7[%get3A_49, %get3A_50] {strides = array<i32>} : memref<100x128xf32, #tpu.memory_space<vmem>>, vector<1x16xf32>,
      %get3A_52 = vector.shape_cast %get3A_51 : vector<1x16xf32> to vector<16xf32>
      %get3A_53 = arith.constant 0 : i32
      %get3A_54 = arith.index_cast %get3A_53 : i32 to index
      %get3A_55 = arith.constant 32 : index
      %get3A_56 = tpu.vector_load %arg7[%get3A_54, %get3A_55] {strides = array<i32>} : memref<100x128xf32, #tpu.memory_space<vmem>>, vector<1x16xf32>,
      %get3A_57 = vector.shape_cast %get3A_56 : vector<1x16xf32> to vector<16xf32>
      %get3A_58 = arith.constant 0 : i32
      %get3A_59 = arith.index_cast %get3A_58 : i32 to index
      %get3A_60 = arith.constant 48 : index
      %get3A_61 = tpu.vector_load %arg7[%get3A_59, %get3A_60] {strides = array<i32>} : memref<100x128xf32, #tpu.memory_space<vmem>>, vector<1x16xf32>,
      %get3A_62 = vector.shape_cast %get3A_61 : vector<1x16xf32> to vector<16xf32>
      %get3A_63 = arith.constant 0 : i32
      %get3A_64 = arith.index_cast %get3A_63 : i32 to index
      %get3A_65 = arith.constant 64 : index
      %get3A_66 = tpu.vector_load %arg7[%get3A_64, %get3A_65] {strides = array<i32>} : memref<100x128xf32, #tpu.memory_space<vmem>>, vector<1x16xf32>,
      %get3A_67 = vector.shape_cast %get3A_66 : vector<1x16xf32> to vector<16xf32>
      %get3A_68 = arith.constant 0 : i32
      %get3A_69 = arith.index_cast %get3A_68 : i32 to index
      %get3A_70 = arith.constant 80 : index
      %get3A_71 = tpu.vector_load %arg7[%get3A_69, %get3A_70] {strides = array<i32>} : memref<100x128xf32, #tpu.memory_space<vmem>>, vector<1x16xf32>,
      %get3A_72 = vector.shape_cast %get3A_71 : vector<1x16xf32> to vector<16xf32>
      %get3A_73 = arith.constant 0 : i32
      %get3A_74 = arith.index_cast %get3A_73 : i32 to index
      %get3A_75 = arith.constant 96 : index
      %get3A_76 = tpu.vector_load %arg7[%get3A_74, %get3A_75] {strides = array<i32>} : memref<100x128xf32, #tpu.memory_space<vmem>>, vector<1x16xf32>,
      %get3A_77 = vector.shape_cast %get3A_76 : vector<1x16xf32> to vector<16xf32>
      %get3A_78 = arith.constant 0 : i32
      %get3A_79 = arith.index_cast %get3A_78 : i32 to index
      %get3A_80 = arith.constant 112 : index
      %get3A_81 = tpu.vector_load %arg7[%get3A_79, %get3A_80] {strides = array<i32>} : memref<100x128xf32, #tpu.memory_space<vmem>>, vector<1x16xf32>,
      %get3A_82 = vector.shape_cast %get3A_81 : vector<1x16xf32> to vector<16xf32>
      %scan3A_83 = arith.constant 1 : i32
      %scan3A_84 = arith.constant 49 : i32
      %scan3A_85 = arith.addi %scan3A_83, %scan3A_84 : i32
      %scan3A_86 = arith.constant 1 : i32
      %scan3A_87:8 = scf.for %scan3A_1035 = %scan3A_83 to %scan3A_85 step %scan3A_86 iter_args(%scan3A_1036 = %get3A_47, %scan3A_1037 = %get3A_52, %scan3A_1038 = %get3A_57, %scan3A_1039 = %get3A_62, %scan3A_1040 = %get3A_67, %scan3A_1041 = %get3A_72, %scan3A_1042 = %get3A_77, %scan3A_1043 = %get3A_82) -> (vector<16xf32>, vector<16xf32>, vector<16xf32>, vector<16xf32>, vector<16xf32>, vector<16xf32>, vector<16xf32>, vector<16xf32>)  : i32 {
        %add3A_1044 = arith.constant 0 : i32
        %add3A_1045 = arith.addi %add3A_1044, %scan3A_1035 : i32
        %get3A_1046 = arith.index_cast %add3A_1045 : i32 to index
        %get3A_1047 = arith.constant 0 : index
        %get3A_1048 = tpu.vector_load %arg7[%get3A_1046, %get3A_1047] {strides = array<i32>} : memref<100x128xf32, #tpu.memory_space<vmem>>, vector<1x16xf32>,
        %get3A_1049 = vector.shape_cast %get3A_1048 : vector<1x16xf32> to vector<16xf32>
        %add3A_1050 = arith.addf %scan3A_1036, %get3A_1049 : vector<16xf32>
        %add3A_1051 = arith.constant 0 : i32
        %add3A_1052 = arith.addi %add3A_1051, %scan3A_1035 : i32
        %get3A_1053 = arith.index_cast %add3A_1052 : i32 to index
        %get3A_1054 = arith.constant 16 : index
        %get3A_1055 = tpu.vector_load %arg7[%get3A_1053, %get3A_1054] {strides = array<i32>} : memref<100x128xf32, #tpu.memory_space<vmem>>, vector<1x16xf32>,
        %get3A_1056 = vector.shape_cast %get3A_1055 : vector<1x16xf32> to vector<16xf32>
        %add3A_1057 = arith.addf %scan3A_1037, %get3A_1056 : vector<16xf32>
        %add3A_1058 = arith.constant 0 : i32
        %add3A_1059 = arith.addi %add3A_1058, %scan3A_1035 : i32
        %get3A_1060 = arith.index_cast %add3A_1059 : i32 to index
        %get3A_1061 = arith.constant 32 : index
        %get3A_1062 = tpu.vector_load %arg7[%get3A_1060, %get3A_1061] {strides = array<i32>} : memref<100x128xf32, #tpu.memory_space<vmem>>, vector<1x16xf32>,
        %get3A_1063 = vector.shape_cast %get3A_1062 : vector<1x16xf32> to vector<16xf32>
        %add3A_1064 = arith.addf %scan3A_1038, %get3A_1063 : vector<16xf32>
        %add3A_1065 = arith.constant 0 : i32
        %add3A_1066 = arith.addi %add3A_1065, %scan3A_1035 : i32
        %get3A_1067 = arith.index_cast %add3A_1066 : i32 to index
        %get3A_1068 = arith.constant 48 : index
        %get3A_1069 = tpu.vector_load %arg7[%get3A_1067, %get3A_1068] {strides = array<i32>} : memref<100x128xf32, #tpu.memory_space<vmem>>, vector<1x16xf32>,
        %get3A_1070 = vector.shape_cast %get3A_1069 : vector<1x16xf32> to vector<16xf32>
        %add3A_1071 = arith.addf %scan3A_1039, %get3A_1070 : vector<16xf32>
        %add3A_1072 = arith.constant 0 : i32
        %add3A_1073 = arith.addi %add3A_1072, %scan3A_1035 : i32
        %get3A_1074 = arith.index_cast %add3A_1073 : i32 to index
        %get3A_1075 = arith.constant 64 : index
        %get3A_1076 = tpu.vector_load %arg7[%get3A_1074, %get3A_1075] {strides = array<i32>} : memref<100x128xf32, #tpu.memory_space<vmem>>, vector<1x16xf32>,
        %get3A_1077 = vector.shape_cast %get3A_1076 : vector<1x16xf32> to vector<16xf32>
        %add3A_1078 = arith.addf %scan3A_1040, %get3A_1077 : vector<16xf32>
        %add3A_1079 = arith.constant 0 : i32
        %add3A_1080 = arith.addi %add3A_1079, %scan3A_1035 : i32
        %get3A_1081 = arith.index_cast %add3A_1080 : i32 to index
        %get3A_1082 = arith.constant 80 : index
        %get3A_1083 = tpu.vector_load %arg7[%get3A_1081, %get3A_1082] {strides = array<i32>} : memref<100x128xf32, #tpu.memory_space<vmem>>, vector<1x16xf32>,
        %get3A_1084 = vector.shape_cast %get3A_1083 : vector<1x16xf32> to vector<16xf32>
        %add3A_1085 = arith.addf %scan3A_1041, %get3A_1084 : vector<16xf32>
        %add3A_1086 = arith.constant 0 : i32
        %add3A_1087 = arith.addi %add3A_1086, %scan3A_1035 : i32
        %get3A_1088 = arith.index_cast %add3A_1087 : i32 to index
        %get3A_1089 = arith.constant 96 : index
        %get3A_1090 = tpu.vector_load %arg7[%get3A_1088, %get3A_1089] {strides = array<i32>} : memref<100x128xf32, #tpu.memory_space<vmem>>, vector<1x16xf32>,
        %get3A_1091 = vector.shape_cast %get3A_1090 : vector<1x16xf32> to vector<16xf32>
        %add3A_1092 = arith.addf %scan3A_1042, %get3A_1091 : vector<16xf32>
        %add3A_1093 = arith.constant 0 : i32
        %add3A_1094 = arith.addi %add3A_1093, %scan3A_1035 : i32
        %get3A_1095 = arith.index_cast %add3A_1094 : i32 to index
        %get3A_1096 = arith.constant 112 : index
        %get3A_1097 = tpu.vector_load %arg7[%get3A_1095, %get3A_1096] {strides = array<i32>} : memref<100x128xf32, #tpu.memory_space<vmem>>, vector<1x16xf32>,
        %get3A_1098 = vector.shape_cast %get3A_1097 : vector<1x16xf32> to vector<16xf32>
        %add3A_1099 = arith.addf %scan3A_1043, %get3A_1098 : vector<16xf32>
        scf.yield %add3A_1050, %add3A_1057, %add3A_1064, %add3A_1071, %add3A_1078, %add3A_1085, %add3A_1092, %add3A_1099 : vector<16xf32>, vector<16xf32>, vector<16xf32>, vector<16xf32>, vector<16xf32>, vector<16xf32>, vector<16xf32>, vector<16xf32>
      }
      %scan3A_88 = arith.constant 49 : i32
      %mul3A_89 = arith.constant 2 : i32
      %mul3A_90 = arith.muli %add3A_38, %mul3A_89 : i32
      %add3A_91 = arith.constant 0 : i32
      %add3A_92 = arith.addi %mul3A_90, %add3A_91 : i32
      %swap3A = arith.index_cast %add3A_92 : i32 to index
      %swap3A_93 = arith.constant 0 : index
      %swap3A_94 = tpu.vector_load %arg6[%swap3A, %swap3A_93] {strides = array<i32>} : memref<128x128xf32, #tpu.memory_space<vmem>>, vector<1x16xf32>,
      %swap3A_95 = vector.shape_cast %swap3A_94 : vector<1x16xf32> to vector<16xf32>
      %swap3A_96 = vector.shape_cast %scan3A_87#0 : vector<16xf32> to vector<1x16xf32>
      tpu.vector_store %arg6[%swap3A, %swap3A_93], %swap3A_96 {strides = array<i32>} : memref<128x128xf32, #tpu.memory_space<vmem>>, vector<1x16xf32>,
      %mul3A_97 = arith.constant 2 : i32
      %mul3A_98 = arith.muli %add3A_38, %mul3A_97 : i32
      %add3A_99 = arith.constant 0 : i32
      %add3A_100 = arith.addi %mul3A_98, %add3A_99 : i32
      %swap3A_101 = arith.index_cast %add3A_100 : i32 to index
      %swap3A_102 = arith.constant 16 : index
      %swap3A_103 = tpu.vector_load %arg6[%swap3A_101, %swap3A_102] {strides = array<i32>} : memref<128x128xf32, #tpu.memory_space<vmem>>, vector<1x16xf32>,
      %swap3A_104 = vector.shape_cast %swap3A_103 : vector<1x16xf32> to vector<16xf32>
      %swap3A_105 = vector.shape_cast %scan3A_87#1 : vector<16xf32> to vector<1x16xf32>
      tpu.vector_store %arg6[%swap3A_101, %swap3A_102], %swap3A_105 {strides = array<i32>} : memref<128x128xf32, #tpu.memory_space<vmem>>, vector<1x16xf32>,
      %mul3A_106 = arith.constant 2 : i32
      %mul3A_107 = arith.muli %add3A_38, %mul3A_106 : i32
      %add3A_108 = arith.constant 0 : i32
      %add3A_109 = arith.addi %mul3A_107, %add3A_108 : i32
      %swap3A_110 = arith.index_cast %add3A_109 : i32 to index
      %swap3A_111 = arith.constant 32 : index
      %swap3A_112 = tpu.vector_load %arg6[%swap3A_110, %swap3A_111] {strides = array<i32>} : memref<128x128xf32, #tpu.memory_space<vmem>>, vector<1x16xf32>,
      %swap3A_113 = vector.shape_cast %swap3A_112 : vector<1x16xf32> to vector<16xf32>
      %swap3A_114 = vector.shape_cast %scan3A_87#2 : vector<16xf32> to vector<1x16xf32>
      tpu.vector_store %arg6[%swap3A_110, %swap3A_111], %swap3A_114 {strides = array<i32>} : memref<128x128xf32, #tpu.memory_space<vmem>>, vector<1x16xf32>,
      %mul3A_115 = arith.constant 2 : i32
      %mul3A_116 = arith.muli %add3A_38, %mul3A_115 : i32
      %add3A_117 = arith.constant 0 : i32
      %add3A_118 = arith.addi %mul3A_116, %add3A_117 : i32
      %swap3A_119 = arith.index_cast %add3A_118 : i32 to index
      %swap3A_120 = arith.constant 48 : index
      %swap3A_121 = tpu.vector_load %arg6[%swap3A_119, %swap3A_120] {strides = array<i32>} : memref<128x128xf32, #tpu.memory_space<vmem>>, vector<1x16xf32>,
      %swap3A_122 = vector.shape_cast %swap3A_121 : vector<1x16xf32> to vector<16xf32>
      %swap3A_123 = vector.shape_cast %scan3A_87#3 : vector<16xf32> to vector<1x16xf32>
      tpu.vector_store %arg6[%swap3A_119, %swap3A_120], %swap3A_123 {strides = array<i32>} : memref<128x128xf32, #tpu.memory_space<vmem>>, vector<1x16xf32>,
      %mul3A_124 = arith.constant 2 : i32
      %mul3A_125 = arith.muli %add3A_38, %mul3A_124 : i32
      %add3A_126 = arith.constant 0 : i32
      %add3A_127 = arith.addi %mul3A_125, %add3A_126 : i32
      %swap3A_128 = arith.index_cast %add3A_127 : i32 to index
      %swap3A_129 = arith.constant 64 : index
      %swap3A_130 = tpu.vector_load %arg6[%swap3A_128, %swap3A_129] {strides = array<i32>} : memref<128x128xf32, #tpu.memory_space<vmem>>, vector<1x16xf32>,
      %swap3A_131 = vector.shape_cast %swap3A_130 : vector<1x16xf32> to vector<16xf32>
      %swap3A_132 = vector.shape_cast %scan3A_87#4 : vector<16xf32> to vector<1x16xf32>
      tpu.vector_store %arg6[%swap3A_128, %swap3A_129], %swap3A_132 {strides = array<i32>} : memref<128x128xf32, #tpu.memory_space<vmem>>, vector<1x16xf32>,
      %mul3A_133 = arith.constant 2 : i32
      %mul3A_134 = arith.muli %add3A_38, %mul3A_133 : i32
      %add3A_135 = arith.constant 0 : i32
      %add3A_136 = arith.addi %mul3A_134, %add3A_135 : i32
      %swap3A_137 = arith.index_cast %add3A_136 : i32 to index
      %swap3A_138 = arith.constant 80 : index
      %swap3A_139 = tpu.vector_load %arg6[%swap3A_137, %swap3A_138] {strides = array<i32>} : memref<128x128xf32, #tpu.memory_space<vmem>>, vector<1x16xf32>,
      %swap3A_140 = vector.shape_cast %swap3A_139 : vector<1x16xf32> to vector<16xf32>
      %swap3A_141 = vector.shape_cast %scan3A_87#5 : vector<16xf32> to vector<1x16xf32>
      tpu.vector_store %arg6[%swap3A_137, %swap3A_138], %swap3A_141 {strides = array<i32>} : memref<128x128xf32, #tpu.memory_space<vmem>>, vector<1x16xf32>,
      %mul3A_142 = arith.constant 2 : i32
      %mul3A_143 = arith.muli %add3A_38, %mul3A_142 : i32
      %add3A_144 = arith.constant 0 : i32
      %add3A_145 = arith.addi %mul3A_143, %add3A_144 : i32
      %swap3A_146 = arith.index_cast %add3A_145 : i32 to index
      %swap3A_147 = arith.constant 96 : index
      %swap3A_148 = tpu.vector_load %arg6[%swap3A_146, %swap3A_147] {strides = array<i32>} : memref<128x128xf32, #tpu.memory_space<vmem>>, vector<1x16xf32>,
      %swap3A_149 = vector.shape_cast %swap3A_148 : vector<1x16xf32> to vector<16xf32>
      %swap3A_150 = vector.shape_cast %scan3A_87#6 : vector<16xf32> to vector<1x16xf32>
      tpu.vector_store %arg6[%swap3A_146, %swap3A_147], %swap3A_150 {strides = array<i32>} : memref<128x128xf32, #tpu.memory_space<vmem>>, vector<1x16xf32>,
      %mul3A_151 = arith.constant 2 : i32
      %mul3A_152 = arith.muli %add3A_38, %mul3A_151 : i32
      %add3A_153 = arith.constant 0 : i32
      %add3A_154 = arith.addi %mul3A_152, %add3A_153 : i32
      %swap3A_155 = arith.index_cast %add3A_154 : i32 to index
      %swap3A_156 = arith.constant 112 : index
      %swap3A_157 = tpu.vector_load %arg6[%swap3A_155, %swap3A_156] {strides = array<i32>} : memref<128x128xf32, #tpu.memory_space<vmem>>, vector<1x16xf32>,
      %swap3A_158 = vector.shape_cast %swap3A_157 : vector<1x16xf32> to vector<16xf32>
      %swap3A_159 = vector.shape_cast %scan3A_87#7 : vector<16xf32> to vector<1x16xf32>
      tpu.vector_store %arg6[%swap3A_155, %swap3A_156], %swap3A_159 {strides = array<i32>} : memref<128x128xf32, #tpu.memory_space<vmem>>, vector<1x16xf32>,
      %get3A_160 = arith.constant 50 : i32
      %get3A_161 = arith.index_cast %get3A_160 : i32 to index
      %get3A_162 = arith.constant 0 : index
      %get3A_163 = tpu.vector_load %arg7[%get3A_161, %get3A_162] {strides = array<i32>} : memref<100x128xf32, #tpu.memory_space<vmem>>, vector<1x16xf32>,
      %get3A_164 = vector.shape_cast %get3A_163 : vector<1x16xf32> to vector<16xf32>
      %get3A_165 = arith.constant 50 : i32
      %get3A_166 = arith.index_cast %get3A_165 : i32 to index
      %get3A_167 = arith.constant 16 : index
      %get3A_168 = tpu.vector_load %arg7[%get3A_166, %get3A_167] {strides = array<i32>} : memref<100x128xf32, #tpu.memory_space<vmem>>, vector<1x16xf32>,
      %get3A_169 = vector.shape_cast %get3A_168 : vector<1x16xf32> to vector<16xf32>
      %get3A_170 = arith.constant 50 : i32
      %get3A_171 = arith.index_cast %get3A_170 : i32 to index
      %get3A_172 = arith.constant 32 : index
      %get3A_173 = tpu.vector_load %arg7[%get3A_171, %get3A_172] {strides = array<i32>} : memref<100x128xf32, #tpu.memory_space<vmem>>, vector<1x16xf32>,
      %get3A_174 = vector.shape_cast %get3A_173 : vector<1x16xf32> to vector<16xf32>
      %get3A_175 = arith.constant 50 : i32
      %get3A_176 = arith.index_cast %get3A_175 : i32 to index
      %get3A_177 = arith.constant 48 : index
      %get3A_178 = tpu.vector_load %arg7[%get3A_176, %get3A_177] {strides = array<i32>} : memref<100x128xf32, #tpu.memory_space<vmem>>, vector<1x16xf32>,
      %get3A_179 = vector.shape_cast %get3A_178 : vector<1x16xf32> to vector<16xf32>
      %get3A_180 = arith.constant 50 : i32
      %get3A_181 = arith.index_cast %get3A_180 : i32 to index
      %get3A_182 = arith.constant 64 : index
      %get3A_183 = tpu.vector_load %arg7[%get3A_181, %get3A_182] {strides = array<i32>} : memref<100x128xf32, #tpu.memory_space<vmem>>, vector<1x16xf32>,
      %get3A_184 = vector.shape_cast %get3A_183 : vector<1x16xf32> to vector<16xf32>
      %get3A_185 = arith.constant 50 : i32
      %get3A_186 = arith.index_cast %get3A_185 : i32 to index
      %get3A_187 = arith.constant 80 : index
      %get3A_188 = tpu.vector_load %arg7[%get3A_186, %get3A_187] {strides = array<i32>} : memref<100x128xf32, #tpu.memory_space<vmem>>, vector<1x16xf32>,
      %get3A_189 = vector.shape_cast %get3A_188 : vector<1x16xf32> to vector<16xf32>
      %get3A_190 = arith.constant 50 : i32
      %get3A_191 = arith.index_cast %get3A_190 : i32 to index
      %get3A_192 = arith.constant 96 : index
      %get3A_193 = tpu.vector_load %arg7[%get3A_191, %get3A_192] {strides = array<i32>} : memref<100x128xf32, #tpu.memory_space<vmem>>, vector<1x16xf32>,
      %get3A_194 = vector.shape_cast %get3A_193 : vector<1x16xf32> to vector<16xf32>
      %get3A_195 = arith.constant 50 : i32
      %get3A_196 = arith.index_cast %get3A_195 : i32 to index
      %get3A_197 = arith.constant 112 : index
      %get3A_198 = tpu.vector_load %arg7[%get3A_196, %get3A_197] {strides = array<i32>} : memref<100x128xf32, #tpu.memory_space<vmem>>, vector<1x16xf32>,
      %get3A_199 = vector.shape_cast %get3A_198 : vector<1x16xf32> to vector<16xf32>
      %scan3A_200 = arith.constant 1 : i32
      %scan3A_201 = arith.constant 49 : i32
      %scan3A_202 = arith.addi %scan3A_200, %scan3A_201 : i32
      %scan3A_203 = arith.constant 1 : i32
      %scan3A_204:8 = scf.for %scan3A_1035 = %scan3A_200 to %scan3A_202 step %scan3A_203 iter_args(%scan3A_1036 = %get3A_164, %scan3A_1037 = %get3A_169, %scan3A_1038 = %get3A_174, %scan3A_1039 = %get3A_179, %scan3A_1040 = %get3A_184, %scan3A_1041 = %get3A_189, %scan3A_1042 = %get3A_194, %scan3A_1043 = %get3A_199) -> (vector<16xf32>, vector<16xf32>, vector<16xf32>, vector<16xf32>, vector<16xf32>, vector<16xf32>, vector<16xf32>, vector<16xf32>)  : i32 {
        %add3A_1044 = arith.constant 50 : i32
        %add3A_1045 = arith.addi %add3A_1044, %scan3A_1035 : i32
        %get3A_1046 = arith.index_cast %add3A_1045 : i32 to index
        %get3A_1047 = arith.constant 0 : index
        %get3A_1048 = tpu.vector_load %arg7[%get3A_1046, %get3A_1047] {strides = array<i32>} : memref<100x128xf32, #tpu.memory_space<vmem>>, vector<1x16xf32>,
        %get3A_1049 = vector.shape_cast %get3A_1048 : vector<1x16xf32> to vector<16xf32>
        %add3A_1050 = arith.addf %scan3A_1036, %get3A_1049 : vector<16xf32>
        %add3A_1051 = arith.constant 50 : i32
        %add3A_1052 = arith.addi %add3A_1051, %scan3A_1035 : i32
        %get3A_1053 = arith.index_cast %add3A_1052 : i32 to index
        %get3A_1054 = arith.constant 16 : index
        %get3A_1055 = tpu.vector_load %arg7[%get3A_1053, %get3A_1054] {strides = array<i32>} : memref<100x128xf32, #tpu.memory_space<vmem>>, vector<1x16xf32>,
        %get3A_1056 = vector.shape_cast %get3A_1055 : vector<1x16xf32> to vector<16xf32>
        %add3A_1057 = arith.addf %scan3A_1037, %get3A_1056 : vector<16xf32>
        %add3A_1058 = arith.constant 50 : i32
        %add3A_1059 = arith.addi %add3A_1058, %scan3A_1035 : i32
        %get3A_1060 = arith.index_cast %add3A_1059 : i32 to index
        %get3A_1061 = arith.constant 32 : index
        %get3A_1062 = tpu.vector_load %arg7[%get3A_1060, %get3A_1061] {strides = array<i32>} : memref<100x128xf32, #tpu.memory_space<vmem>>, vector<1x16xf32>,
        %get3A_1063 = vector.shape_cast %get3A_1062 : vector<1x16xf32> to vector<16xf32>
        %add3A_1064 = arith.addf %scan3A_1038, %get3A_1063 : vector<16xf32>
        %add3A_1065 = arith.constant 50 : i32
        %add3A_1066 = arith.addi %add3A_1065, %scan3A_1035 : i32
        %get3A_1067 = arith.index_cast %add3A_1066 : i32 to index
        %get3A_1068 = arith.constant 48 : index
        %get3A_1069 = tpu.vector_load %arg7[%get3A_1067, %get3A_1068] {strides = array<i32>} : memref<100x128xf32, #tpu.memory_space<vmem>>, vector<1x16xf32>,
        %get3A_1070 = vector.shape_cast %get3A_1069 : vector<1x16xf32> to vector<16xf32>
        %add3A_1071 = arith.addf %scan3A_1039, %get3A_1070 : vector<16xf32>
        %add3A_1072 = arith.constant 50 : i32
        %add3A_1073 = arith.addi %add3A_1072, %scan3A_1035 : i32
        %get3A_1074 = arith.index_cast %add3A_1073 : i32 to index
        %get3A_1075 = arith.constant 64 : index
        %get3A_1076 = tpu.vector_load %arg7[%get3A_1074, %get3A_1075] {strides = array<i32>} : memref<100x128xf32, #tpu.memory_space<vmem>>, vector<1x16xf32>,
        %get3A_1077 = vector.shape_cast %get3A_1076 : vector<1x16xf32> to vector<16xf32>
        %add3A_1078 = arith.addf %scan3A_1040, %get3A_1077 : vector<16xf32>
        %add3A_1079 = arith.constant 50 : i32
        %add3A_1080 = arith.addi %add3A_1079, %scan3A_1035 : i32
        %get3A_1081 = arith.index_cast %add3A_1080 : i32 to index
        %get3A_1082 = arith.constant 80 : index
        %get3A_1083 = tpu.vector_load %arg7[%get3A_1081, %get3A_1082] {strides = array<i32>} : memref<100x128xf32, #tpu.memory_space<vmem>>, vector<1x16xf32>,
        %get3A_1084 = vector.shape_cast %get3A_1083 : vector<1x16xf32> to vector<16xf32>
        %add3A_1085 = arith.addf %scan3A_1041, %get3A_1084 : vector<16xf32>
        %add3A_1086 = arith.constant 50 : i32
        %add3A_1087 = arith.addi %add3A_1086, %scan3A_1035 : i32
        %get3A_1088 = arith.index_cast %add3A_1087 : i32 to index
        %get3A_1089 = arith.constant 96 : index
        %get3A_1090 = tpu.vector_load %arg7[%get3A_1088, %get3A_1089] {strides = array<i32>} : memref<100x128xf32, #tpu.memory_space<vmem>>, vector<1x16xf32>,
        %get3A_1091 = vector.shape_cast %get3A_1090 : vector<1x16xf32> to vector<16xf32>
        %add3A_1092 = arith.addf %scan3A_1042, %get3A_1091 : vector<16xf32>
        %add3A_1093 = arith.constant 50 : i32
        %add3A_1094 = arith.addi %add3A_1093, %scan3A_1035 : i32
        %get3A_1095 = arith.index_cast %add3A_1094 : i32 to index
        %get3A_1096 = arith.constant 112 : index
        %get3A_1097 = tpu.vector_load %arg7[%get3A_1095, %get3A_1096] {strides = array<i32>} : memref<100x128xf32, #tpu.memory_space<vmem>>, vector<1x16xf32>,
        %get3A_1098 = vector.shape_cast %get3A_1097 : vector<1x16xf32> to vector<16xf32>
        %add3A_1099 = arith.addf %scan3A_1043, %get3A_1098 : vector<16xf32>
        scf.yield %add3A_1050, %add3A_1057, %add3A_1064, %add3A_1071, %add3A_1078, %add3A_1085, %add3A_1092, %add3A_1099 : vector<16xf32>, vector<16xf32>, vector<16xf32>, vector<16xf32>, vector<16xf32>, vector<16xf32>, vector<16xf32>, vector<16xf32>
      }
      %scan3A_205 = arith.constant 49 : i32
      %mul3A_206 = arith.constant 2 : i32
      %mul3A_207 = arith.muli %add3A_38, %mul3A_206 : i32
      %add3A_208 = arith.constant 1 : i32
      %add3A_209 = arith.addi %mul3A_207, %add3A_208 : i32
      %swap3A_210 = arith.index_cast %add3A_209 : i32 to index
      %swap3A_211 = arith.constant 0 : index
      %swap3A_212 = tpu.vector_load %arg6[%swap3A_210, %swap3A_211] {strides = array<i32>} : memref<128x128xf32, #tpu.memory_space<vmem>>, vector<1x16xf32>,
      %swap3A_213 = vector.shape_cast %swap3A_212 : vector<1x16xf32> to vector<16xf32>
      %swap3A_214 = vector.shape_cast %scan3A_204#0 : vector<16xf32> to vector<1x16xf32>
      tpu.vector_store %arg6[%swap3A_210, %swap3A_211], %swap3A_214 {strides = array<i32>} : memref<128x128xf32, #tpu.memory_space<vmem>>, vector<1x16xf32>,
      %mul3A_215 = arith.constant 2 : i32
      %mul3A_216 = arith.muli %add3A_38, %mul3A_215 : i32
      %add3A_217 = arith.constant 1 : i32
      %add3A_218 = arith.addi %mul3A_216, %add3A_217 : i32
      %swap3A_219 = arith.index_cast %add3A_218 : i32 to index
      %swap3A_220 = arith.constant 16 : index
      %swap3A_221 = tpu.vector_load %arg6[%swap3A_219, %swap3A_220] {strides = array<i32>} : memref<128x128xf32, #tpu.memory_space<vmem>>, vector<1x16xf32>,
      %swap3A_222 = vector.shape_cast %swap3A_221 : vector<1x16xf32> to vector<16xf32>
      %swap3A_223 = vector.shape_cast %scan3A_204#1 : vector<16xf32> to vector<1x16xf32>
      tpu.vector_store %arg6[%swap3A_219, %swap3A_220], %swap3A_223 {strides = array<i32>} : memref<128x128xf32, #tpu.memory_space<vmem>>, vector<1x16xf32>,
      %mul3A_224 = arith.constant 2 : i32
      %mul3A_225 = arith.muli %add3A_38, %mul3A_224 : i32
      %add3A_226 = arith.constant 1 : i32
      %add3A_227 = arith.addi %mul3A_225, %add3A_226 : i32
      %swap3A_228 = arith.index_cast %add3A_227 : i32 to index
      %swap3A_229 = arith.constant 32 : index
      %swap3A_230 = tpu.vector_load %arg6[%swap3A_228, %swap3A_229] {strides = array<i32>} : memref<128x128xf32, #tpu.memory_space<vmem>>, vector<1x16xf32>,
      %swap3A_231 = vector.shape_cast %swap3A_230 : vector<1x16xf32> to vector<16xf32>
      %swap3A_232 = vector.shape_cast %scan3A_204#2 : vector<16xf32> to vector<1x16xf32>
      tpu.vector_store %arg6[%swap3A_228, %swap3A_229], %swap3A_232 {strides = array<i32>} : memref<128x128xf32, #tpu.memory_space<vmem>>, vector<1x16xf32>,
      %mul3A_233 = arith.constant 2 : i32
      %mul3A_234 = arith.muli %add3A_38, %mul3A_233 : i32
      %add3A_235 = arith.constant 1 : i32
      %add3A_236 = arith.addi %mul3A_234, %add3A_235 : i32
      %swap3A_237 = arith.index_cast %add3A_236 : i32 to index
      %swap3A_238 = arith.constant 48 : index
      %swap3A_239 = tpu.vector_load %arg6[%swap3A_237, %swap3A_238] {strides = array<i32>} : memref<128x128xf32, #tpu.memory_space<vmem>>, vector<1x16xf32>,
      %swap3A_240 = vector.shape_cast %swap3A_239 : vector<1x16xf32> to vector<16xf32>
      %swap3A_241 = vector.shape_cast %scan3A_204#3 : vector<16xf32> to vector<1x16xf32>
      tpu.vector_store %arg6[%swap3A_237, %swap3A_238], %swap3A_241 {strides = array<i32>} : memref<128x128xf32, #tpu.memory_space<vmem>>, vector<1x16xf32>,
      %mul3A_242 = arith.constant 2 : i32
      %mul3A_243 = arith.muli %add3A_38, %mul3A_242 : i32
      %add3A_244 = arith.constant 1 : i32
      %add3A_245 = arith.addi %mul3A_243, %add3A_244 : i32
      %swap3A_246 = arith.index_cast %add3A_245 : i32 to index
      %swap3A_247 = arith.constant 64 : index
      %swap3A_248 = tpu.vector_load %arg6[%swap3A_246, %swap3A_247] {strides = array<i32>} : memref<128x128xf32, #tpu.memory_space<vmem>>, vector<1x16xf32>,
      %swap3A_249 = vector.shape_cast %swap3A_248 : vector<1x16xf32> to vector<16xf32>
      %swap3A_250 = vector.shape_cast %scan3A_204#4 : vector<16xf32> to vector<1x16xf32>
      tpu.vector_store %arg6[%swap3A_246, %swap3A_247], %swap3A_250 {strides = array<i32>} : memref<128x128xf32, #tpu.memory_space<vmem>>, vector<1x16xf32>,
      %mul3A_251 = arith.constant 2 : i32
      %mul3A_252 = arith.muli %add3A_38, %mul3A_251 : i32
      %add3A_253 = arith.constant 1 : i32
      %add3A_254 = arith.addi %mul3A_252, %add3A_253 : i32
      %swap3A_255 = arith.index_cast %add3A_254 : i32 to index
      %swap3A_256 = arith.constant 80 : index
      %swap3A_257 = tpu.vector_load %arg6[%swap3A_255, %swap3A_256] {strides = array<i32>} : memref<128x128xf32, #tpu.memory_space<vmem>>, vector<1x16xf32>,
      %swap3A_258 = vector.shape_cast %swap3A_257 : vector<1x16xf32> to vector<16xf32>
      %swap3A_259 = vector.shape_cast %scan3A_204#5 : vector<16xf32> to vector<1x16xf32>
      tpu.vector_store %arg6[%swap3A_255, %swap3A_256], %swap3A_259 {strides = array<i32>} : memref<128x128xf32, #tpu.memory_space<vmem>>, vector<1x16xf32>,
      %mul3A_260 = arith.constant 2 : i32
      %mul3A_261 = arith.muli %add3A_38, %mul3A_260 : i32
      %add3A_262 = arith.constant 1 : i32
      %add3A_263 = arith.addi %mul3A_261, %add3A_262 : i32
      %swap3A_264 = arith.index_cast %add3A_263 : i32 to index
      %swap3A_265 = arith.constant 96 : index
      %swap3A_266 = tpu.vector_load %arg6[%swap3A_264, %swap3A_265] {strides = array<i32>} : memref<128x128xf32, #tpu.memory_space<vmem>>, vector<1x16xf32>,
      %swap3A_267 = vector.shape_cast %swap3A_266 : vector<1x16xf32> to vector<16xf32>
      %swap3A_268 = vector.shape_cast %scan3A_204#6 : vector<16xf32> to vector<1x16xf32>
      tpu.vector_store %arg6[%swap3A_264, %swap3A_265], %swap3A_268 {strides = array<i32>} : memref<128x128xf32, #tpu.memory_space<vmem>>, vector<1x16xf32>,
      %mul3A_269 = arith.constant 2 : i32
      %mul3A_270 = arith.muli %add3A_38, %mul3A_269 : i32
      %add3A_271 = arith.constant 1 : i32
      %add3A_272 = arith.addi %mul3A_270, %add3A_271 : i32
      %swap3A_273 = arith.index_cast %add3A_272 : i32 to index
      %swap3A_274 = arith.constant 112 : index
      %swap3A_275 = tpu.vector_load %arg6[%swap3A_273, %swap3A_274] {strides = array<i32>} : memref<128x128xf32, #tpu.memory_space<vmem>>, vector<1x16xf32>,
      %swap3A_276 = vector.shape_cast %swap3A_275 : vector<1x16xf32> to vector<16xf32>
      %swap3A_277 = vector.shape_cast %scan3A_204#7 : vector<16xf32> to vector<1x16xf32>
      tpu.vector_store %arg6[%swap3A_273, %swap3A_274], %swap3A_277 {strides = array<i32>} : memref<128x128xf32, #tpu.memory_space<vmem>>, vector<1x16xf32>,
      %add3A_278 = arith.constant 4 : i32
      %add3A_279 = arith.addi %add3A_38, %add3A_278 : i32
      %lt3A = arith.constant 64 : i32
      %lt3A_280 = arith.cmpi slt, %add3A_279, %lt3A : i32
      %convert_element_type3A = arith.extui %lt3A_280 : i1 to i32
      %cond3A = arith.constant 0 : i32
      %cond3A_281 = arith.cmpi ne, %convert_element_type3A, %cond3A : i32
      scf.if %cond3A_281 {
        %dma_start3A_1035 = arith.constant 0 : i32
        %dma_start3A_1036 = tpu.memref_slice %arg5[%add3A_279, %dma_start3A_1035] : memref<64x100xi32, #tpu.memory_space<vmem>> -> memref<1x100xi32, #tpu.memory_space<vmem>>
        %dma_start3A_1037 = tpu.memref_squeeze %dma_start3A_1036 : memref<1x100xi32, #tpu.memory_space<vmem>> -> memref<100xi32, #tpu.memory_space<vmem>>
        %dma_start3A_1038 = arith.constant 0 : i32
        %dma_start3A_1039 = arith.constant 0 : i32
        %dma_start3A_1040 = tpu.memref_slice %arg3[%dma_start3A_1038, %dma_start3A_1039] : memref<100000x128xf32, #tpu.memory_space<hbm>> -> memref<100000x128xf32, #tpu.memory_space<hbm>>
        tpu.enqueue_indirect_dma source(%dma_start3A_1040 : memref<100000x128xf32, #tpu.memory_space<hbm>>) target(%arg7 : memref<100x128xf32, #tpu.memory_space<vmem>>) offsets(%dma_start3A_1037 : memref<100xi32, #tpu.memory_space<vmem>>) semaphore(%arg11 : memref<!tpu.dma_semaphore, #tpu.memory_space<semaphore_mem>>)
      } else {
      }
      %add3A_282 = arith.constant 1 : i32
      %add3A_283 = arith.addi %mul3A_36, %add3A_282 : i32
      %dma_wait3A_284 = arith.constant 0 : i32
      %dma_wait3A_285 = tpu.memref_slice %arg5[%add3A_283, %dma_wait3A_284] : memref<64x100xi32, #tpu.memory_space<vmem>> -> memref<1x100xi32, #tpu.memory_space<vmem>>
      %dma_wait3A_286 = tpu.memref_squeeze %dma_wait3A_285 : memref<1x100xi32, #tpu.memory_space<vmem>> -> memref<100xi32, #tpu.memory_space<vmem>>
      %dma_wait3A_287 = arith.constant 0 : i32
      %dma_wait3A_288 = arith.constant 0 : i32
      %dma_wait3A_289 = tpu.memref_slice %arg3[%dma_wait3A_287, %dma_wait3A_288] : memref<100000x128xf32, #tpu.memory_space<hbm>> -> memref<100000x128xf32, #tpu.memory_space<hbm>>
      tpu.wait_indirect_dma semaphore(%arg12 : memref<!tpu.dma_semaphore, #tpu.memory_space<semaphore_mem>>) src(%dma_wait3A_289 : memref<100000x128xf32, #tpu.memory_space<hbm>>) dst(%arg8 : memref<100x128xf32, #tpu.memory_space<vmem>>)
      %get3A_290 = arith.constant 0 : i32
      %get3A_291 = arith.index_cast %get3A_290 : i32 to index
      %get3A_292 = arith.constant 0 : index
      %get3A_293 = tpu.vector_load %arg8[%get3A_291, %get3A_292] {strides = array<i32>} : memref<100x128xf32, #tpu.memory_space<vmem>>, vector<1x16xf32>,
      %get3A_294 = vector.shape_cast %get3A_293 : vector<1x16xf32> to vector<16xf32>
      %get3A_295 = arith.constant 0 : i32
      %get3A_296 = arith.index_cast %get3A_295 : i32 to index
      %get3A_297 = arith.constant 16 : index
      %get3A_298 = tpu.vector_load %arg8[%get3A_296, %get3A_297] {strides = array<i32>} : memref<100x128xf32, #tpu.memory_space<vmem>>, vector<1x16xf32>,
      %get3A_299 = vector.shape_cast %get3A_298 : vector<1x16xf32> to vector<16xf32>
      %get3A_300 = arith.constant 0 : i32
      %get3A_301 = arith.index_cast %get3A_300 : i32 to index
      %get3A_302 = arith.constant 32 : index
      %get3A_303 = tpu.vector_load %arg8[%get3A_301, %get3A_302] {strides = array<i32>} : memref<100x128xf32, #tpu.memory_space<vmem>>, vector<1x16xf32>,
      %get3A_304 = vector.shape_cast %get3A_303 : vector<1x16xf32> to vector<16xf32>
      %get3A_305 = arith.constant 0 : i32
      %get3A_306 = arith.index_cast %get3A_305 : i32 to index
      %get3A_307 = arith.constant 48 : index
      %get3A_308 = tpu.vector_load %arg8[%get3A_306, %get3A_307] {strides = array<i32>} : memref<100x128xf32, #tpu.memory_space<vmem>>, vector<1x16xf32>,
      %get3A_309 = vector.shape_cast %get3A_308 : vector<1x16xf32> to vector<16xf32>
      %get3A_310 = arith.constant 0 : i32
      %get3A_311 = arith.index_cast %get3A_310 : i32 to index
      %get3A_312 = arith.constant 64 : index
      %get3A_313 = tpu.vector_load %arg8[%get3A_311, %get3A_312] {strides = array<i32>} : memref<100x128xf32, #tpu.memory_space<vmem>>, vector<1x16xf32>,
      %get3A_314 = vector.shape_cast %get3A_313 : vector<1x16xf32> to vector<16xf32>
      %get3A_315 = arith.constant 0 : i32
      %get3A_316 = arith.index_cast %get3A_315 : i32 to index
      %get3A_317 = arith.constant 80 : index
      %get3A_318 = tpu.vector_load %arg8[%get3A_316, %get3A_317] {strides = array<i32>} : memref<100x128xf32, #tpu.memory_space<vmem>>, vector<1x16xf32>,
      %get3A_319 = vector.shape_cast %get3A_318 : vector<1x16xf32> to vector<16xf32>
      %get3A_320 = arith.constant 0 : i32
      %get3A_321 = arith.index_cast %get3A_320 : i32 to index
      %get3A_322 = arith.constant 96 : index
      %get3A_323 = tpu.vector_load %arg8[%get3A_321, %get3A_322] {strides = array<i32>} : memref<100x128xf32, #tpu.memory_space<vmem>>, vector<1x16xf32>,
      %get3A_324 = vector.shape_cast %get3A_323 : vector<1x16xf32> to vector<16xf32>
      %get3A_325 = arith.constant 0 : i32
      %get3A_326 = arith.index_cast %get3A_325 : i32 to index
      %get3A_327 = arith.constant 112 : index
      %get3A_328 = tpu.vector_load %arg8[%get3A_326, %get3A_327] {strides = array<i32>} : memref<100x128xf32, #tpu.memory_space<vmem>>, vector<1x16xf32>,
      %get3A_329 = vector.shape_cast %get3A_328 : vector<1x16xf32> to vector<16xf32>
      %scan3A_330 = arith.constant 1 : i32
      %scan3A_331 = arith.constant 49 : i32
      %scan3A_332 = arith.addi %scan3A_330, %scan3A_331 : i32
      %scan3A_333 = arith.constant 1 : i32
      %scan3A_334:8 = scf.for %scan3A_1035 = %scan3A_330 to %scan3A_332 step %scan3A_333 iter_args(%scan3A_1036 = %get3A_294, %scan3A_1037 = %get3A_299, %scan3A_1038 = %get3A_304, %scan3A_1039 = %get3A_309, %scan3A_1040 = %get3A_314, %scan3A_1041 = %get3A_319, %scan3A_1042 = %get3A_324, %scan3A_1043 = %get3A_329) -> (vector<16xf32>, vector<16xf32>, vector<16xf32>, vector<16xf32>, vector<16xf32>, vector<16xf32>, vector<16xf32>, vector<16xf32>)  : i32 {
        %add3A_1044 = arith.constant 0 : i32
        %add3A_1045 = arith.addi %add3A_1044, %scan3A_1035 : i32
        %get3A_1046 = arith.index_cast %add3A_1045 : i32 to index
        %get3A_1047 = arith.constant 0 : index
        %get3A_1048 = tpu.vector_load %arg8[%get3A_1046, %get3A_1047] {strides = array<i32>} : memref<100x128xf32, #tpu.memory_space<vmem>>, vector<1x16xf32>,
        %get3A_1049 = vector.shape_cast %get3A_1048 : vector<1x16xf32> to vector<16xf32>
        %add3A_1050 = arith.addf %scan3A_1036, %get3A_1049 : vector<16xf32>
        %add3A_1051 = arith.constant 0 : i32
        %add3A_1052 = arith.addi %add3A_1051, %scan3A_1035 : i32
        %get3A_1053 = arith.index_cast %add3A_1052 : i32 to index
        %get3A_1054 = arith.constant 16 : index
        %get3A_1055 = tpu.vector_load %arg8[%get3A_1053, %get3A_1054] {strides = array<i32>} : memref<100x128xf32, #tpu.memory_space<vmem>>, vector<1x16xf32>,
        %get3A_1056 = vector.shape_cast %get3A_1055 : vector<1x16xf32> to vector<16xf32>
        %add3A_1057 = arith.addf %scan3A_1037, %get3A_1056 : vector<16xf32>
        %add3A_1058 = arith.constant 0 : i32
        %add3A_1059 = arith.addi %add3A_1058, %scan3A_1035 : i32
        %get3A_1060 = arith.index_cast %add3A_1059 : i32 to index
        %get3A_1061 = arith.constant 32 : index
        %get3A_1062 = tpu.vector_load %arg8[%get3A_1060, %get3A_1061] {strides = array<i32>} : memref<100x128xf32, #tpu.memory_space<vmem>>, vector<1x16xf32>,
        %get3A_1063 = vector.shape_cast %get3A_1062 : vector<1x16xf32> to vector<16xf32>
        %add3A_1064 = arith.addf %scan3A_1038, %get3A_1063 : vector<16xf32>
        %add3A_1065 = arith.constant 0 : i32
        %add3A_1066 = arith.addi %add3A_1065, %scan3A_1035 : i32
        %get3A_1067 = arith.index_cast %add3A_1066 : i32 to index
        %get3A_1068 = arith.constant 48 : index
        %get3A_1069 = tpu.vector_load %arg8[%get3A_1067, %get3A_1068] {strides = array<i32>} : memref<100x128xf32, #tpu.memory_space<vmem>>, vector<1x16xf32>,
        %get3A_1070 = vector.shape_cast %get3A_1069 : vector<1x16xf32> to vector<16xf32>
        %add3A_1071 = arith.addf %scan3A_1039, %get3A_1070 : vector<16xf32>
        %add3A_1072 = arith.constant 0 : i32
        %add3A_1073 = arith.addi %add3A_1072, %scan3A_1035 : i32
        %get3A_1074 = arith.index_cast %add3A_1073 : i32 to index
        %get3A_1075 = arith.constant 64 : index
        %get3A_1076 = tpu.vector_load %arg8[%get3A_1074, %get3A_1075] {strides = array<i32>} : memref<100x128xf32, #tpu.memory_space<vmem>>, vector<1x16xf32>,
        %get3A_1077 = vector.shape_cast %get3A_1076 : vector<1x16xf32> to vector<16xf32>
        %add3A_1078 = arith.addf %scan3A_1040, %get3A_1077 : vector<16xf32>
        %add3A_1079 = arith.constant 0 : i32
        %add3A_1080 = arith.addi %add3A_1079, %scan3A_1035 : i32
        %get3A_1081 = arith.index_cast %add3A_1080 : i32 to index
        %get3A_1082 = arith.constant 80 : index
        %get3A_1083 = tpu.vector_load %arg8[%get3A_1081, %get3A_1082] {strides = array<i32>} : memref<100x128xf32, #tpu.memory_space<vmem>>, vector<1x16xf32>,
        %get3A_1084 = vector.shape_cast %get3A_1083 : vector<1x16xf32> to vector<16xf32>
        %add3A_1085 = arith.addf %scan3A_1041, %get3A_1084 : vector<16xf32>
        %add3A_1086 = arith.constant 0 : i32
        %add3A_1087 = arith.addi %add3A_1086, %scan3A_1035 : i32
        %get3A_1088 = arith.index_cast %add3A_1087 : i32 to index
        %get3A_1089 = arith.constant 96 : index
        %get3A_1090 = tpu.vector_load %arg8[%get3A_1088, %get3A_1089] {strides = array<i32>} : memref<100x128xf32, #tpu.memory_space<vmem>>, vector<1x16xf32>,
        %get3A_1091 = vector.shape_cast %get3A_1090 : vector<1x16xf32> to vector<16xf32>
        %add3A_1092 = arith.addf %scan3A_1042, %get3A_1091 : vector<16xf32>
        %add3A_1093 = arith.constant 0 : i32
        %add3A_1094 = arith.addi %add3A_1093, %scan3A_1035 : i32
        %get3A_1095 = arith.index_cast %add3A_1094 : i32 to index
        %get3A_1096 = arith.constant 112 : index
        %get3A_1097 = tpu.vector_load %arg8[%get3A_1095, %get3A_1096] {strides = array<i32>} : memref<100x128xf32, #tpu.memory_space<vmem>>, vector<1x16xf32>,
        %get3A_1098 = vector.shape_cast %get3A_1097 : vector<1x16xf32> to vector<16xf32>
        %add3A_1099 = arith.addf %scan3A_1043, %get3A_1098 : vector<16xf32>
        scf.yield %add3A_1050, %add3A_1057, %add3A_1064, %add3A_1071, %add3A_1078, %add3A_1085, %add3A_1092, %add3A_1099 : vector<16xf32>, vector<16xf32>, vector<16xf32>, vector<16xf32>, vector<16xf32>, vector<16xf32>, vector<16xf32>, vector<16xf32>
      }
      %scan3A_335 = arith.constant 49 : i32
      %mul3A_336 = arith.constant 2 : i32
      %mul3A_337 = arith.muli %add3A_283, %mul3A_336 : i32
      %add3A_338 = arith.constant 0 : i32
      %add3A_339 = arith.addi %mul3A_337, %add3A_338 : i32
      %swap3A_340 = arith.index_cast %add3A_339 : i32 to index
      %swap3A_341 = arith.constant 0 : index
      %swap3A_342 = tpu.vector_load %arg6[%swap3A_340, %swap3A_341] {strides = array<i32>} : memref<128x128xf32, #tpu.memory_space<vmem>>, vector<1x16xf32>,
      %swap3A_343 = vector.shape_cast %swap3A_342 : vector<1x16xf32> to vector<16xf32>
      %swap3A_344 = vector.shape_cast %scan3A_334#0 : vector<16xf32> to vector<1x16xf32>
      tpu.vector_store %arg6[%swap3A_340, %swap3A_341], %swap3A_344 {strides = array<i32>} : memref<128x128xf32, #tpu.memory_space<vmem>>, vector<1x16xf32>,
      %mul3A_345 = arith.constant 2 : i32
      %mul3A_346 = arith.muli %add3A_283, %mul3A_345 : i32
      %add3A_347 = arith.constant 0 : i32
      %add3A_348 = arith.addi %mul3A_346, %add3A_347 : i32
      %swap3A_349 = arith.index_cast %add3A_348 : i32 to index
      %swap3A_350 = arith.constant 16 : index
      %swap3A_351 = tpu.vector_load %arg6[%swap3A_349, %swap3A_350] {strides = array<i32>} : memref<128x128xf32, #tpu.memory_space<vmem>>, vector<1x16xf32>,
      %swap3A_352 = vector.shape_cast %swap3A_351 : vector<1x16xf32> to vector<16xf32>
      %swap3A_353 = vector.shape_cast %scan3A_334#1 : vector<16xf32> to vector<1x16xf32>
      tpu.vector_store %arg6[%swap3A_349, %swap3A_350], %swap3A_353 {strides = array<i32>} : memref<128x128xf32, #tpu.memory_space<vmem>>, vector<1x16xf32>,
      %mul3A_354 = arith.constant 2 : i32
      %mul3A_355 = arith.muli %add3A_283, %mul3A_354 : i32
      %add3A_356 = arith.constant 0 : i32
      %add3A_357 = arith.addi %mul3A_355, %add3A_356 : i32
      %swap3A_358 = arith.index_cast %add3A_357 : i32 to index
      %swap3A_359 = arith.constant 32 : index
      %swap3A_360 = tpu.vector_load %arg6[%swap3A_358, %swap3A_359] {strides = array<i32>} : memref<128x128xf32, #tpu.memory_space<vmem>>, vector<1x16xf32>,
      %swap3A_361 = vector.shape_cast %swap3A_360 : vector<1x16xf32> to vector<16xf32>
      %swap3A_362 = vector.shape_cast %scan3A_334#2 : vector<16xf32> to vector<1x16xf32>
      tpu.vector_store %arg6[%swap3A_358, %swap3A_359], %swap3A_362 {strides = array<i32>} : memref<128x128xf32, #tpu.memory_space<vmem>>, vector<1x16xf32>,
      %mul3A_363 = arith.constant 2 : i32
      %mul3A_364 = arith.muli %add3A_283, %mul3A_363 : i32
      %add3A_365 = arith.constant 0 : i32
      %add3A_366 = arith.addi %mul3A_364, %add3A_365 : i32
      %swap3A_367 = arith.index_cast %add3A_366 : i32 to index
      %swap3A_368 = arith.constant 48 : index
      %swap3A_369 = tpu.vector_load %arg6[%swap3A_367, %swap3A_368] {strides = array<i32>} : memref<128x128xf32, #tpu.memory_space<vmem>>, vector<1x16xf32>,
      %swap3A_370 = vector.shape_cast %swap3A_369 : vector<1x16xf32> to vector<16xf32>
      %swap3A_371 = vector.shape_cast %scan3A_334#3 : vector<16xf32> to vector<1x16xf32>
      tpu.vector_store %arg6[%swap3A_367, %swap3A_368], %swap3A_371 {strides = array<i32>} : memref<128x128xf32, #tpu.memory_space<vmem>>, vector<1x16xf32>,
      %mul3A_372 = arith.constant 2 : i32
      %mul3A_373 = arith.muli %add3A_283, %mul3A_372 : i32
      %add3A_374 = arith.constant 0 : i32
      %add3A_375 = arith.addi %mul3A_373, %add3A_374 : i32
      %swap3A_376 = arith.index_cast %add3A_375 : i32 to index
      %swap3A_377 = arith.constant 64 : index
      %swap3A_378 = tpu.vector_load %arg6[%swap3A_376, %swap3A_377] {strides = array<i32>} : memref<128x128xf32, #tpu.memory_space<vmem>>, vector<1x16xf32>,
      %swap3A_379 = vector.shape_cast %swap3A_378 : vector<1x16xf32> to vector<16xf32>
      %swap3A_380 = vector.shape_cast %scan3A_334#4 : vector<16xf32> to vector<1x16xf32>
      tpu.vector_store %arg6[%swap3A_376, %swap3A_377], %swap3A_380 {strides = array<i32>} : memref<128x128xf32, #tpu.memory_space<vmem>>, vector<1x16xf32>,
      %mul3A_381 = arith.constant 2 : i32
      %mul3A_382 = arith.muli %add3A_283, %mul3A_381 : i32
      %add3A_383 = arith.constant 0 : i32
      %add3A_384 = arith.addi %mul3A_382, %add3A_383 : i32
      %swap3A_385 = arith.index_cast %add3A_384 : i32 to index
      %swap3A_386 = arith.constant 80 : index
      %swap3A_387 = tpu.vector_load %arg6[%swap3A_385, %swap3A_386] {strides = array<i32>} : memref<128x128xf32, #tpu.memory_space<vmem>>, vector<1x16xf32>,
      %swap3A_388 = vector.shape_cast %swap3A_387 : vector<1x16xf32> to vector<16xf32>
      %swap3A_389 = vector.shape_cast %scan3A_334#5 : vector<16xf32> to vector<1x16xf32>
      tpu.vector_store %arg6[%swap3A_385, %swap3A_386], %swap3A_389 {strides = array<i32>} : memref<128x128xf32, #tpu.memory_space<vmem>>, vector<1x16xf32>,
      %mul3A_390 = arith.constant 2 : i32
      %mul3A_391 = arith.muli %add3A_283, %mul3A_390 : i32
      %add3A_392 = arith.constant 0 : i32
      %add3A_393 = arith.addi %mul3A_391, %add3A_392 : i32
      %swap3A_394 = arith.index_cast %add3A_393 : i32 to index
      %swap3A_395 = arith.constant 96 : index
      %swap3A_396 = tpu.vector_load %arg6[%swap3A_394, %swap3A_395] {strides = array<i32>} : memref<128x128xf32, #tpu.memory_space<vmem>>, vector<1x16xf32>,
      %swap3A_397 = vector.shape_cast %swap3A_396 : vector<1x16xf32> to vector<16xf32>
      %swap3A_398 = vector.shape_cast %scan3A_334#6 : vector<16xf32> to vector<1x16xf32>
      tpu.vector_store %arg6[%swap3A_394, %swap3A_395], %swap3A_398 {strides = array<i32>} : memref<128x128xf32, #tpu.memory_space<vmem>>, vector<1x16xf32>,
      %mul3A_399 = arith.constant 2 : i32
      %mul3A_400 = arith.muli %add3A_283, %mul3A_399 : i32
      %add3A_401 = arith.constant 0 : i32
      %add3A_402 = arith.addi %mul3A_400, %add3A_401 : i32
      %swap3A_403 = arith.index_cast %add3A_402 : i32 to index
      %swap3A_404 = arith.constant 112 : index
      %swap3A_405 = tpu.vector_load %arg6[%swap3A_403, %swap3A_404] {strides = array<i32>} : memref<128x128xf32, #tpu.memory_space<vmem>>, vector<1x16xf32>,
      %swap3A_406 = vector.shape_cast %swap3A_405 : vector<1x16xf32> to vector<16xf32>
      %swap3A_407 = vector.shape_cast %scan3A_334#7 : vector<16xf32> to vector<1x16xf32>
      tpu.vector_store %arg6[%swap3A_403, %swap3A_404], %swap3A_407 {strides = array<i32>} : memref<128x128xf32, #tpu.memory_space<vmem>>, vector<1x16xf32>,
      %get3A_408 = arith.constant 50 : i32
      %get3A_409 = arith.index_cast %get3A_408 : i32 to index
      %get3A_410 = arith.constant 0 : index
      %get3A_411 = tpu.vector_load %arg8[%get3A_409, %get3A_410] {strides = array<i32>} : memref<100x128xf32, #tpu.memory_space<vmem>>, vector<1x16xf32>,
      %get3A_412 = vector.shape_cast %get3A_411 : vector<1x16xf32> to vector<16xf32>
      %get3A_413 = arith.constant 50 : i32
      %get3A_414 = arith.index_cast %get3A_413 : i32 to index
      %get3A_415 = arith.constant 16 : index
      %get3A_416 = tpu.vector_load %arg8[%get3A_414, %get3A_415] {strides = array<i32>} : memref<100x128xf32, #tpu.memory_space<vmem>>, vector<1x16xf32>,
      %get3A_417 = vector.shape_cast %get3A_416 : vector<1x16xf32> to vector<16xf32>
      %get3A_418 = arith.constant 50 : i32
      %get3A_419 = arith.index_cast %get3A_418 : i32 to index
      %get3A_420 = arith.constant 32 : index
      %get3A_421 = tpu.vector_load %arg8[%get3A_419, %get3A_420] {strides = array<i32>} : memref<100x128xf32, #tpu.memory_space<vmem>>, vector<1x16xf32>,
      %get3A_422 = vector.shape_cast %get3A_421 : vector<1x16xf32> to vector<16xf32>
      %get3A_423 = arith.constant 50 : i32
      %get3A_424 = arith.index_cast %get3A_423 : i32 to index
      %get3A_425 = arith.constant 48 : index
      %get3A_426 = tpu.vector_load %arg8[%get3A_424, %get3A_425] {strides = array<i32>} : memref<100x128xf32, #tpu.memory_space<vmem>>, vector<1x16xf32>,
      %get3A_427 = vector.shape_cast %get3A_426 : vector<1x16xf32> to vector<16xf32>
      %get3A_428 = arith.constant 50 : i32
      %get3A_429 = arith.index_cast %get3A_428 : i32 to index
      %get3A_430 = arith.constant 64 : index
      %get3A_431 = tpu.vector_load %arg8[%get3A_429, %get3A_430] {strides = array<i32>} : memref<100x128xf32, #tpu.memory_space<vmem>>, vector<1x16xf32>,
      %get3A_432 = vector.shape_cast %get3A_431 : vector<1x16xf32> to vector<16xf32>
      %get3A_433 = arith.constant 50 : i32
      %get3A_434 = arith.index_cast %get3A_433 : i32 to index
      %get3A_435 = arith.constant 80 : index
      %get3A_436 = tpu.vector_load %arg8[%get3A_434, %get3A_435] {strides = array<i32>} : memref<100x128xf32, #tpu.memory_space<vmem>>, vector<1x16xf32>,
      %get3A_437 = vector.shape_cast %get3A_436 : vector<1x16xf32> to vector<16xf32>
      %get3A_438 = arith.constant 50 : i32
      %get3A_439 = arith.index_cast %get3A_438 : i32 to index
      %get3A_440 = arith.constant 96 : index
      %get3A_441 = tpu.vector_load %arg8[%get3A_439, %get3A_440] {strides = array<i32>} : memref<100x128xf32, #tpu.memory_space<vmem>>, vector<1x16xf32>,
      %get3A_442 = vector.shape_cast %get3A_441 : vector<1x16xf32> to vector<16xf32>
      %get3A_443 = arith.constant 50 : i32
      %get3A_444 = arith.index_cast %get3A_443 : i32 to index
      %get3A_445 = arith.constant 112 : index
      %get3A_446 = tpu.vector_load %arg8[%get3A_444, %get3A_445] {strides = array<i32>} : memref<100x128xf32, #tpu.memory_space<vmem>>, vector<1x16xf32>,
      %get3A_447 = vector.shape_cast %get3A_446 : vector<1x16xf32> to vector<16xf32>
      %scan3A_448 = arith.constant 1 : i32
      %scan3A_449 = arith.constant 49 : i32
      %scan3A_450 = arith.addi %scan3A_448, %scan3A_449 : i32
      %scan3A_451 = arith.constant 1 : i32
      %scan3A_452:8 = scf.for %scan3A_1035 = %scan3A_448 to %scan3A_450 step %scan3A_451 iter_args(%scan3A_1036 = %get3A_412, %scan3A_1037 = %get3A_417, %scan3A_1038 = %get3A_422, %scan3A_1039 = %get3A_427, %scan3A_1040 = %get3A_432, %scan3A_1041 = %get3A_437, %scan3A_1042 = %get3A_442, %scan3A_1043 = %get3A_447) -> (vector<16xf32>, vector<16xf32>, vector<16xf32>, vector<16xf32>, vector<16xf32>, vector<16xf32>, vector<16xf32>, vector<16xf32>)  : i32 {
        %add3A_1044 = arith.constant 50 : i32
        %add3A_1045 = arith.addi %add3A_1044, %scan3A_1035 : i32
        %get3A_1046 = arith.index_cast %add3A_1045 : i32 to index
        %get3A_1047 = arith.constant 0 : index
        %get3A_1048 = tpu.vector_load %arg8[%get3A_1046, %get3A_1047] {strides = array<i32>} : memref<100x128xf32, #tpu.memory_space<vmem>>, vector<1x16xf32>,
        %get3A_1049 = vector.shape_cast %get3A_1048 : vector<1x16xf32> to vector<16xf32>
        %add3A_1050 = arith.addf %scan3A_1036, %get3A_1049 : vector<16xf32>
        %add3A_1051 = arith.constant 50 : i32
        %add3A_1052 = arith.addi %add3A_1051, %scan3A_1035 : i32
        %get3A_1053 = arith.index_cast %add3A_1052 : i32 to index
        %get3A_1054 = arith.constant 16 : index
        %get3A_1055 = tpu.vector_load %arg8[%get3A_1053, %get3A_1054] {strides = array<i32>} : memref<100x128xf32, #tpu.memory_space<vmem>>, vector<1x16xf32>,
        %get3A_1056 = vector.shape_cast %get3A_1055 : vector<1x16xf32> to vector<16xf32>
        %add3A_1057 = arith.addf %scan3A_1037, %get3A_1056 : vector<16xf32>
        %add3A_1058 = arith.constant 50 : i32
        %add3A_1059 = arith.addi %add3A_1058, %scan3A_1035 : i32
        %get3A_1060 = arith.index_cast %add3A_1059 : i32 to index
        %get3A_1061 = arith.constant 32 : index
        %get3A_1062 = tpu.vector_load %arg8[%get3A_1060, %get3A_1061] {strides = array<i32>} : memref<100x128xf32, #tpu.memory_space<vmem>>, vector<1x16xf32>,
        %get3A_1063 = vector.shape_cast %get3A_1062 : vector<1x16xf32> to vector<16xf32>
        %add3A_1064 = arith.addf %scan3A_1038, %get3A_1063 : vector<16xf32>
        %add3A_1065 = arith.constant 50 : i32
        %add3A_1066 = arith.addi %add3A_1065, %scan3A_1035 : i32
        %get3A_1067 = arith.index_cast %add3A_1066 : i32 to index
        %get3A_1068 = arith.constant 48 : index
        %get3A_1069 = tpu.vector_load %arg8[%get3A_1067, %get3A_1068] {strides = array<i32>} : memref<100x128xf32, #tpu.memory_space<vmem>>, vector<1x16xf32>,
        %get3A_1070 = vector.shape_cast %get3A_1069 : vector<1x16xf32> to vector<16xf32>
        %add3A_1071 = arith.addf %scan3A_1039, %get3A_1070 : vector<16xf32>
        %add3A_1072 = arith.constant 50 : i32
        %add3A_1073 = arith.addi %add3A_1072, %scan3A_1035 : i32
        %get3A_1074 = arith.index_cast %add3A_1073 : i32 to index
        %get3A_1075 = arith.constant 64 : index
        %get3A_1076 = tpu.vector_load %arg8[%get3A_1074, %get3A_1075] {strides = array<i32>} : memref<100x128xf32, #tpu.memory_space<vmem>>, vector<1x16xf32>,
        %get3A_1077 = vector.shape_cast %get3A_1076 : vector<1x16xf32> to vector<16xf32>
        %add3A_1078 = arith.addf %scan3A_1040, %get3A_1077 : vector<16xf32>
        %add3A_1079 = arith.constant 50 : i32
        %add3A_1080 = arith.addi %add3A_1079, %scan3A_1035 : i32
        %get3A_1081 = arith.index_cast %add3A_1080 : i32 to index
        %get3A_1082 = arith.constant 80 : index
        %get3A_1083 = tpu.vector_load %arg8[%get3A_1081, %get3A_1082] {strides = array<i32>} : memref<100x128xf32, #tpu.memory_space<vmem>>, vector<1x16xf32>,
        %get3A_1084 = vector.shape_cast %get3A_1083 : vector<1x16xf32> to vector<16xf32>
        %add3A_1085 = arith.addf %scan3A_1041, %get3A_1084 : vector<16xf32>
        %add3A_1086 = arith.constant 50 : i32
        %add3A_1087 = arith.addi %add3A_1086, %scan3A_1035 : i32
        %get3A_1088 = arith.index_cast %add3A_1087 : i32 to index
        %get3A_1089 = arith.constant 96 : index
        %get3A_1090 = tpu.vector_load %arg8[%get3A_1088, %get3A_1089] {strides = array<i32>} : memref<100x128xf32, #tpu.memory_space<vmem>>, vector<1x16xf32>,
        %get3A_1091 = vector.shape_cast %get3A_1090 : vector<1x16xf32> to vector<16xf32>
        %add3A_1092 = arith.addf %scan3A_1042, %get3A_1091 : vector<16xf32>
        %add3A_1093 = arith.constant 50 : i32
        %add3A_1094 = arith.addi %add3A_1093, %scan3A_1035 : i32
        %get3A_1095 = arith.index_cast %add3A_1094 : i32 to index
        %get3A_1096 = arith.constant 112 : index
        %get3A_1097 = tpu.vector_load %arg8[%get3A_1095, %get3A_1096] {strides = array<i32>} : memref<100x128xf32, #tpu.memory_space<vmem>>, vector<1x16xf32>,
        %get3A_1098 = vector.shape_cast %get3A_1097 : vector<1x16xf32> to vector<16xf32>
        %add3A_1099 = arith.addf %scan3A_1043, %get3A_1098 : vector<16xf32>
        scf.yield %add3A_1050, %add3A_1057, %add3A_1064, %add3A_1071, %add3A_1078, %add3A_1085, %add3A_1092, %add3A_1099 : vector<16xf32>, vector<16xf32>, vector<16xf32>, vector<16xf32>, vector<16xf32>, vector<16xf32>, vector<16xf32>, vector<16xf32>
      }
      %scan3A_453 = arith.constant 49 : i32
      %mul3A_454 = arith.constant 2 : i32
      %mul3A_455 = arith.muli %add3A_283, %mul3A_454 : i32
      %add3A_456 = arith.constant 1 : i32
      %add3A_457 = arith.addi %mul3A_455, %add3A_456 : i32
      %swap3A_458 = arith.index_cast %add3A_457 : i32 to index
      %swap3A_459 = arith.constant 0 : index
      %swap3A_460 = tpu.vector_load %arg6[%swap3A_458, %swap3A_459] {strides = array<i32>} : memref<128x128xf32, #tpu.memory_space<vmem>>, vector<1x16xf32>,
      %swap3A_461 = vector.shape_cast %swap3A_460 : vector<1x16xf32> to vector<16xf32>
      %swap3A_462 = vector.shape_cast %scan3A_452#0 : vector<16xf32> to vector<1x16xf32>
      tpu.vector_store %arg6[%swap3A_458, %swap3A_459], %swap3A_462 {strides = array<i32>} : memref<128x128xf32, #tpu.memory_space<vmem>>, vector<1x16xf32>,
      %mul3A_463 = arith.constant 2 : i32
      %mul3A_464 = arith.muli %add3A_283, %mul3A_463 : i32
      %add3A_465 = arith.constant 1 : i32
      %add3A_466 = arith.addi %mul3A_464, %add3A_465 : i32
      %swap3A_467 = arith.index_cast %add3A_466 : i32 to index
      %swap3A_468 = arith.constant 16 : index
      %swap3A_469 = tpu.vector_load %arg6[%swap3A_467, %swap3A_468] {strides = array<i32>} : memref<128x128xf32, #tpu.memory_space<vmem>>, vector<1x16xf32>,
      %swap3A_470 = vector.shape_cast %swap3A_469 : vector<1x16xf32> to vector<16xf32>
      %swap3A_471 = vector.shape_cast %scan3A_452#1 : vector<16xf32> to vector<1x16xf32>
      tpu.vector_store %arg6[%swap3A_467, %swap3A_468], %swap3A_471 {strides = array<i32>} : memref<128x128xf32, #tpu.memory_space<vmem>>, vector<1x16xf32>,
      %mul3A_472 = arith.constant 2 : i32
      %mul3A_473 = arith.muli %add3A_283, %mul3A_472 : i32
      %add3A_474 = arith.constant 1 : i32
      %add3A_475 = arith.addi %mul3A_473, %add3A_474 : i32
      %swap3A_476 = arith.index_cast %add3A_475 : i32 to index
      %swap3A_477 = arith.constant 32 : index
      %swap3A_478 = tpu.vector_load %arg6[%swap3A_476, %swap3A_477] {strides = array<i32>} : memref<128x128xf32, #tpu.memory_space<vmem>>, vector<1x16xf32>,
      %swap3A_479 = vector.shape_cast %swap3A_478 : vector<1x16xf32> to vector<16xf32>
      %swap3A_480 = vector.shape_cast %scan3A_452#2 : vector<16xf32> to vector<1x16xf32>
      tpu.vector_store %arg6[%swap3A_476, %swap3A_477], %swap3A_480 {strides = array<i32>} : memref<128x128xf32, #tpu.memory_space<vmem>>, vector<1x16xf32>,
      %mul3A_481 = arith.constant 2 : i32
      %mul3A_482 = arith.muli %add3A_283, %mul3A_481 : i32
      %add3A_483 = arith.constant 1 : i32
      %add3A_484 = arith.addi %mul3A_482, %add3A_483 : i32
      %swap3A_485 = arith.index_cast %add3A_484 : i32 to index
      %swap3A_486 = arith.constant 48 : index
      %swap3A_487 = tpu.vector_load %arg6[%swap3A_485, %swap3A_486] {strides = array<i32>} : memref<128x128xf32, #tpu.memory_space<vmem>>, vector<1x16xf32>,
      %swap3A_488 = vector.shape_cast %swap3A_487 : vector<1x16xf32> to vector<16xf32>
      %swap3A_489 = vector.shape_cast %scan3A_452#3 : vector<16xf32> to vector<1x16xf32>
      tpu.vector_store %arg6[%swap3A_485, %swap3A_486], %swap3A_489 {strides = array<i32>} : memref<128x128xf32, #tpu.memory_space<vmem>>, vector<1x16xf32>,
      %mul3A_490 = arith.constant 2 : i32
      %mul3A_491 = arith.muli %add3A_283, %mul3A_490 : i32
      %add3A_492 = arith.constant 1 : i32
      %add3A_493 = arith.addi %mul3A_491, %add3A_492 : i32
      %swap3A_494 = arith.index_cast %add3A_493 : i32 to index
      %swap3A_495 = arith.constant 64 : index
      %swap3A_496 = tpu.vector_load %arg6[%swap3A_494, %swap3A_495] {strides = array<i32>} : memref<128x128xf32, #tpu.memory_space<vmem>>, vector<1x16xf32>,
      %swap3A_497 = vector.shape_cast %swap3A_496 : vector<1x16xf32> to vector<16xf32>
      %swap3A_498 = vector.shape_cast %scan3A_452#4 : vector<16xf32> to vector<1x16xf32>
      tpu.vector_store %arg6[%swap3A_494, %swap3A_495], %swap3A_498 {strides = array<i32>} : memref<128x128xf32, #tpu.memory_space<vmem>>, vector<1x16xf32>,
      %mul3A_499 = arith.constant 2 : i32
      %mul3A_500 = arith.muli %add3A_283, %mul3A_499 : i32
      %add3A_501 = arith.constant 1 : i32
      %add3A_502 = arith.addi %mul3A_500, %add3A_501 : i32
      %swap3A_503 = arith.index_cast %add3A_502 : i32 to index
      %swap3A_504 = arith.constant 80 : index
      %swap3A_505 = tpu.vector_load %arg6[%swap3A_503, %swap3A_504] {strides = array<i32>} : memref<128x128xf32, #tpu.memory_space<vmem>>, vector<1x16xf32>,
      %swap3A_506 = vector.shape_cast %swap3A_505 : vector<1x16xf32> to vector<16xf32>
      %swap3A_507 = vector.shape_cast %scan3A_452#5 : vector<16xf32> to vector<1x16xf32>
      tpu.vector_store %arg6[%swap3A_503, %swap3A_504], %swap3A_507 {strides = array<i32>} : memref<128x128xf32, #tpu.memory_space<vmem>>, vector<1x16xf32>,
      %mul3A_508 = arith.constant 2 : i32
      %mul3A_509 = arith.muli %add3A_283, %mul3A_508 : i32
      %add3A_510 = arith.constant 1 : i32
      %add3A_511 = arith.addi %mul3A_509, %add3A_510 : i32
      %swap3A_512 = arith.index_cast %add3A_511 : i32 to index
      %swap3A_513 = arith.constant 96 : index
      %swap3A_514 = tpu.vector_load %arg6[%swap3A_512, %swap3A_513] {strides = array<i32>} : memref<128x128xf32, #tpu.memory_space<vmem>>, vector<1x16xf32>,
      %swap3A_515 = vector.shape_cast %swap3A_514 : vector<1x16xf32> to vector<16xf32>
      %swap3A_516 = vector.shape_cast %scan3A_452#6 : vector<16xf32> to vector<1x16xf32>
      tpu.vector_store %arg6[%swap3A_512, %swap3A_513], %swap3A_516 {strides = array<i32>} : memref<128x128xf32, #tpu.memory_space<vmem>>, vector<1x16xf32>,
      %mul3A_517 = arith.constant 2 : i32
      %mul3A_518 = arith.muli %add3A_283, %mul3A_517 : i32
      %add3A_519 = arith.constant 1 : i32
      %add3A_520 = arith.addi %mul3A_518, %add3A_519 : i32
      %swap3A_521 = arith.index_cast %add3A_520 : i32 to index
      %swap3A_522 = arith.constant 112 : index
      %swap3A_523 = tpu.vector_load %arg6[%swap3A_521, %swap3A_522] {strides = array<i32>} : memref<128x128xf32, #tpu.memory_space<vmem>>, vector<1x16xf32>,
      %swap3A_524 = vector.shape_cast %swap3A_523 : vector<1x16xf32> to vector<16xf32>
      %swap3A_525 = vector.shape_cast %scan3A_452#7 : vector<16xf32> to vector<1x16xf32>
      tpu.vector_store %arg6[%swap3A_521, %swap3A_522], %swap3A_525 {strides = array<i32>} : memref<128x128xf32, #tpu.memory_space<vmem>>, vector<1x16xf32>,
      %add3A_526 = arith.constant 4 : i32
      %add3A_527 = arith.addi %add3A_283, %add3A_526 : i32
      %lt3A_528 = arith.constant 64 : i32
      %lt3A_529 = arith.cmpi slt, %add3A_527, %lt3A_528 : i32
      %convert_element_type3A_530 = arith.extui %lt3A_529 : i1 to i32
      %cond3A_531 = arith.constant 0 : i32
      %cond3A_532 = arith.cmpi ne, %convert_element_type3A_530, %cond3A_531 : i32
      scf.if %cond3A_532 {
        %dma_start3A_1035 = arith.constant 0 : i32
        %dma_start3A_1036 = tpu.memref_slice %arg5[%add3A_527, %dma_start3A_1035] : memref<64x100xi32, #tpu.memory_space<vmem>> -> memref<1x100xi32, #tpu.memory_space<vmem>>
        %dma_start3A_1037 = tpu.memref_squeeze %dma_start3A_1036 : memref<1x100xi32, #tpu.memory_space<vmem>> -> memref<100xi32, #tpu.memory_space<vmem>>
        %dma_start3A_1038 = arith.constant 0 : i32
        %dma_start3A_1039 = arith.constant 0 : i32
        %dma_start3A_1040 = tpu.memref_slice %arg3[%dma_start3A_1038, %dma_start3A_1039] : memref<100000x128xf32, #tpu.memory_space<hbm>> -> memref<100000x128xf32, #tpu.memory_space<hbm>>
        tpu.enqueue_indirect_dma source(%dma_start3A_1040 : memref<100000x128xf32, #tpu.memory_space<hbm>>) target(%arg8 : memref<100x128xf32, #tpu.memory_space<vmem>>) offsets(%dma_start3A_1037 : memref<100xi32, #tpu.memory_space<vmem>>) semaphore(%arg12 : memref<!tpu.dma_semaphore, #tpu.memory_space<semaphore_mem>>)
      } else {
      }
      %add3A_533 = arith.constant 2 : i32
      %add3A_534 = arith.addi %mul3A_36, %add3A_533 : i32
      %dma_wait3A_535 = arith.constant 0 : i32
      %dma_wait3A_536 = tpu.memref_slice %arg5[%add3A_534, %dma_wait3A_535] : memref<64x100xi32, #tpu.memory_space<vmem>> -> memref<1x100xi32, #tpu.memory_space<vmem>>
      %dma_wait3A_537 = tpu.memref_squeeze %dma_wait3A_536 : memref<1x100xi32, #tpu.memory_space<vmem>> -> memref<100xi32, #tpu.memory_space<vmem>>
      %dma_wait3A_538 = arith.constant 0 : i32
      %dma_wait3A_539 = arith.constant 0 : i32
      %dma_wait3A_540 = tpu.memref_slice %arg3[%dma_wait3A_538, %dma_wait3A_539] : memref<100000x128xf32, #tpu.memory_space<hbm>> -> memref<100000x128xf32, #tpu.memory_space<hbm>>
      tpu.wait_indirect_dma semaphore(%arg13 : memref<!tpu.dma_semaphore, #tpu.memory_space<semaphore_mem>>) src(%dma_wait3A_540 : memref<100000x128xf32, #tpu.memory_space<hbm>>) dst(%arg9 : memref<100x128xf32, #tpu.memory_space<vmem>>)
      %get3A_541 = arith.constant 0 : i32
      %get3A_542 = arith.index_cast %get3A_541 : i32 to index
      %get3A_543 = arith.constant 0 : index
      %get3A_544 = tpu.vector_load %arg9[%get3A_542, %get3A_543] {strides = array<i32>} : memref<100x128xf32, #tpu.memory_space<vmem>>, vector<1x16xf32>,
      %get3A_545 = vector.shape_cast %get3A_544 : vector<1x16xf32> to vector<16xf32>
      %get3A_546 = arith.constant 0 : i32
      %get3A_547 = arith.index_cast %get3A_546 : i32 to index
      %get3A_548 = arith.constant 16 : index
      %get3A_549 = tpu.vector_load %arg9[%get3A_547, %get3A_548] {strides = array<i32>} : memref<100x128xf32, #tpu.memory_space<vmem>>, vector<1x16xf32>,
      %get3A_550 = vector.shape_cast %get3A_549 : vector<1x16xf32> to vector<16xf32>
      %get3A_551 = arith.constant 0 : i32
      %get3A_552 = arith.index_cast %get3A_551 : i32 to index
      %get3A_553 = arith.constant 32 : index
      %get3A_554 = tpu.vector_load %arg9[%get3A_552, %get3A_553] {strides = array<i32>} : memref<100x128xf32, #tpu.memory_space<vmem>>, vector<1x16xf32>,
      %get3A_555 = vector.shape_cast %get3A_554 : vector<1x16xf32> to vector<16xf32>
      %get3A_556 = arith.constant 0 : i32
      %get3A_557 = arith.index_cast %get3A_556 : i32 to index
      %get3A_558 = arith.constant 48 : index
      %get3A_559 = tpu.vector_load %arg9[%get3A_557, %get3A_558] {strides = array<i32>} : memref<100x128xf32, #tpu.memory_space<vmem>>, vector<1x16xf32>,
      %get3A_560 = vector.shape_cast %get3A_559 : vector<1x16xf32> to vector<16xf32>
      %get3A_561 = arith.constant 0 : i32
      %get3A_562 = arith.index_cast %get3A_561 : i32 to index
      %get3A_563 = arith.constant 64 : index
      %get3A_564 = tpu.vector_load %arg9[%get3A_562, %get3A_563] {strides = array<i32>} : memref<100x128xf32, #tpu.memory_space<vmem>>, vector<1x16xf32>,
      %get3A_565 = vector.shape_cast %get3A_564 : vector<1x16xf32> to vector<16xf32>
      %get3A_566 = arith.constant 0 : i32
      %get3A_567 = arith.index_cast %get3A_566 : i32 to index
      %get3A_568 = arith.constant 80 : index
      %get3A_569 = tpu.vector_load %arg9[%get3A_567, %get3A_568] {strides = array<i32>} : memref<100x128xf32, #tpu.memory_space<vmem>>, vector<1x16xf32>,
      %get3A_570 = vector.shape_cast %get3A_569 : vector<1x16xf32> to vector<16xf32>
      %get3A_571 = arith.constant 0 : i32
      %get3A_572 = arith.index_cast %get3A_571 : i32 to index
      %get3A_573 = arith.constant 96 : index
      %get3A_574 = tpu.vector_load %arg9[%get3A_572, %get3A_573] {strides = array<i32>} : memref<100x128xf32, #tpu.memory_space<vmem>>, vector<1x16xf32>,
      %get3A_575 = vector.shape_cast %get3A_574 : vector<1x16xf32> to vector<16xf32>
      %get3A_576 = arith.constant 0 : i32
      %get3A_577 = arith.index_cast %get3A_576 : i32 to index
      %get3A_578 = arith.constant 112 : index
      %get3A_579 = tpu.vector_load %arg9[%get3A_577, %get3A_578] {strides = array<i32>} : memref<100x128xf32, #tpu.memory_space<vmem>>, vector<1x16xf32>,
      %get3A_580 = vector.shape_cast %get3A_579 : vector<1x16xf32> to vector<16xf32>
      %scan3A_581 = arith.constant 1 : i32
      %scan3A_582 = arith.constant 49 : i32
      %scan3A_583 = arith.addi %scan3A_581, %scan3A_582 : i32
      %scan3A_584 = arith.constant 1 : i32
      %scan3A_585:8 = scf.for %scan3A_1035 = %scan3A_581 to %scan3A_583 step %scan3A_584 iter_args(%scan3A_1036 = %get3A_545, %scan3A_1037 = %get3A_550, %scan3A_1038 = %get3A_555, %scan3A_1039 = %get3A_560, %scan3A_1040 = %get3A_565, %scan3A_1041 = %get3A_570, %scan3A_1042 = %get3A_575, %scan3A_1043 = %get3A_580) -> (vector<16xf32>, vector<16xf32>, vector<16xf32>, vector<16xf32>, vector<16xf32>, vector<16xf32>, vector<16xf32>, vector<16xf32>)  : i32 {
        %add3A_1044 = arith.constant 0 : i32
        %add3A_1045 = arith.addi %add3A_1044, %scan3A_1035 : i32
        %get3A_1046 = arith.index_cast %add3A_1045 : i32 to index
        %get3A_1047 = arith.constant 0 : index
        %get3A_1048 = tpu.vector_load %arg9[%get3A_1046, %get3A_1047] {strides = array<i32>} : memref<100x128xf32, #tpu.memory_space<vmem>>, vector<1x16xf32>,
        %get3A_1049 = vector.shape_cast %get3A_1048 : vector<1x16xf32> to vector<16xf32>
        %add3A_1050 = arith.addf %scan3A_1036, %get3A_1049 : vector<16xf32>
        %add3A_1051 = arith.constant 0 : i32
        %add3A_1052 = arith.addi %add3A_1051, %scan3A_1035 : i32
        %get3A_1053 = arith.index_cast %add3A_1052 : i32 to index
        %get3A_1054 = arith.constant 16 : index
        %get3A_1055 = tpu.vector_load %arg9[%get3A_1053, %get3A_1054] {strides = array<i32>} : memref<100x128xf32, #tpu.memory_space<vmem>>, vector<1x16xf32>,
        %get3A_1056 = vector.shape_cast %get3A_1055 : vector<1x16xf32> to vector<16xf32>
        %add3A_1057 = arith.addf %scan3A_1037, %get3A_1056 : vector<16xf32>
        %add3A_1058 = arith.constant 0 : i32
        %add3A_1059 = arith.addi %add3A_1058, %scan3A_1035 : i32
        %get3A_1060 = arith.index_cast %add3A_1059 : i32 to index
        %get3A_1061 = arith.constant 32 : index
        %get3A_1062 = tpu.vector_load %arg9[%get3A_1060, %get3A_1061] {strides = array<i32>} : memref<100x128xf32, #tpu.memory_space<vmem>>, vector<1x16xf32>,
        %get3A_1063 = vector.shape_cast %get3A_1062 : vector<1x16xf32> to vector<16xf32>
        %add3A_1064 = arith.addf %scan3A_1038, %get3A_1063 : vector<16xf32>
        %add3A_1065 = arith.constant 0 : i32
        %add3A_1066 = arith.addi %add3A_1065, %scan3A_1035 : i32
        %get3A_1067 = arith.index_cast %add3A_1066 : i32 to index
        %get3A_1068 = arith.constant 48 : index
        %get3A_1069 = tpu.vector_load %arg9[%get3A_1067, %get3A_1068] {strides = array<i32>} : memref<100x128xf32, #tpu.memory_space<vmem>>, vector<1x16xf32>,
        %get3A_1070 = vector.shape_cast %get3A_1069 : vector<1x16xf32> to vector<16xf32>
        %add3A_1071 = arith.addf %scan3A_1039, %get3A_1070 : vector<16xf32>
        %add3A_1072 = arith.constant 0 : i32
        %add3A_1073 = arith.addi %add3A_1072, %scan3A_1035 : i32
        %get3A_1074 = arith.index_cast %add3A_1073 : i32 to index
        %get3A_1075 = arith.constant 64 : index
        %get3A_1076 = tpu.vector_load %arg9[%get3A_1074, %get3A_1075] {strides = array<i32>} : memref<100x128xf32, #tpu.memory_space<vmem>>, vector<1x16xf32>,
        %get3A_1077 = vector.shape_cast %get3A_1076 : vector<1x16xf32> to vector<16xf32>
        %add3A_1078 = arith.addf %scan3A_1040, %get3A_1077 : vector<16xf32>
        %add3A_1079 = arith.constant 0 : i32
        %add3A_1080 = arith.addi %add3A_1079, %scan3A_1035 : i32
        %get3A_1081 = arith.index_cast %add3A_1080 : i32 to index
        %get3A_1082 = arith.constant 80 : index
        %get3A_1083 = tpu.vector_load %arg9[%get3A_1081, %get3A_1082] {strides = array<i32>} : memref<100x128xf32, #tpu.memory_space<vmem>>, vector<1x16xf32>,
        %get3A_1084 = vector.shape_cast %get3A_1083 : vector<1x16xf32> to vector<16xf32>
        %add3A_1085 = arith.addf %scan3A_1041, %get3A_1084 : vector<16xf32>
        %add3A_1086 = arith.constant 0 : i32
        %add3A_1087 = arith.addi %add3A_1086, %scan3A_1035 : i32
        %get3A_1088 = arith.index_cast %add3A_1087 : i32 to index
        %get3A_1089 = arith.constant 96 : index
        %get3A_1090 = tpu.vector_load %arg9[%get3A_1088, %get3A_1089] {strides = array<i32>} : memref<100x128xf32, #tpu.memory_space<vmem>>, vector<1x16xf32>,
        %get3A_1091 = vector.shape_cast %get3A_1090 : vector<1x16xf32> to vector<16xf32>
        %add3A_1092 = arith.addf %scan3A_1042, %get3A_1091 : vector<16xf32>
        %add3A_1093 = arith.constant 0 : i32
        %add3A_1094 = arith.addi %add3A_1093, %scan3A_1035 : i32
        %get3A_1095 = arith.index_cast %add3A_1094 : i32 to index
        %get3A_1096 = arith.constant 112 : index
        %get3A_1097 = tpu.vector_load %arg9[%get3A_1095, %get3A_1096] {strides = array<i32>} : memref<100x128xf32, #tpu.memory_space<vmem>>, vector<1x16xf32>,
        %get3A_1098 = vector.shape_cast %get3A_1097 : vector<1x16xf32> to vector<16xf32>
        %add3A_1099 = arith.addf %scan3A_1043, %get3A_1098 : vector<16xf32>
        scf.yield %add3A_1050, %add3A_1057, %add3A_1064, %add3A_1071, %add3A_1078, %add3A_1085, %add3A_1092, %add3A_1099 : vector<16xf32>, vector<16xf32>, vector<16xf32>, vector<16xf32>, vector<16xf32>, vector<16xf32>, vector<16xf32>, vector<16xf32>
      }
      %scan3A_586 = arith.constant 49 : i32
      %mul3A_587 = arith.constant 2 : i32
      %mul3A_588 = arith.muli %add3A_534, %mul3A_587 : i32
      %add3A_589 = arith.constant 0 : i32
      %add3A_590 = arith.addi %mul3A_588, %add3A_589 : i32
      %swap3A_591 = arith.index_cast %add3A_590 : i32 to index
      %swap3A_592 = arith.constant 0 : index
      %swap3A_593 = tpu.vector_load %arg6[%swap3A_591, %swap3A_592] {strides = array<i32>} : memref<128x128xf32, #tpu.memory_space<vmem>>, vector<1x16xf32>,
      %swap3A_594 = vector.shape_cast %swap3A_593 : vector<1x16xf32> to vector<16xf32>
      %swap3A_595 = vector.shape_cast %scan3A_585#0 : vector<16xf32> to vector<1x16xf32>
      tpu.vector_store %arg6[%swap3A_591, %swap3A_592], %swap3A_595 {strides = array<i32>} : memref<128x128xf32, #tpu.memory_space<vmem>>, vector<1x16xf32>,
      %mul3A_596 = arith.constant 2 : i32
      %mul3A_597 = arith.muli %add3A_534, %mul3A_596 : i32
      %add3A_598 = arith.constant 0 : i32
      %add3A_599 = arith.addi %mul3A_597, %add3A_598 : i32
      %swap3A_600 = arith.index_cast %add3A_599 : i32 to index
      %swap3A_601 = arith.constant 16 : index
      %swap3A_602 = tpu.vector_load %arg6[%swap3A_600, %swap3A_601] {strides = array<i32>} : memref<128x128xf32, #tpu.memory_space<vmem>>, vector<1x16xf32>,
      %swap3A_603 = vector.shape_cast %swap3A_602 : vector<1x16xf32> to vector<16xf32>
      %swap3A_604 = vector.shape_cast %scan3A_585#1 : vector<16xf32> to vector<1x16xf32>
      tpu.vector_store %arg6[%swap3A_600, %swap3A_601], %swap3A_604 {strides = array<i32>} : memref<128x128xf32, #tpu.memory_space<vmem>>, vector<1x16xf32>,
      %mul3A_605 = arith.constant 2 : i32
      %mul3A_606 = arith.muli %add3A_534, %mul3A_605 : i32
      %add3A_607 = arith.constant 0 : i32
      %add3A_608 = arith.addi %mul3A_606, %add3A_607 : i32
      %swap3A_609 = arith.index_cast %add3A_608 : i32 to index
      %swap3A_610 = arith.constant 32 : index
      %swap3A_611 = tpu.vector_load %arg6[%swap3A_609, %swap3A_610] {strides = array<i32>} : memref<128x128xf32, #tpu.memory_space<vmem>>, vector<1x16xf32>,
      %swap3A_612 = vector.shape_cast %swap3A_611 : vector<1x16xf32> to vector<16xf32>
      %swap3A_613 = vector.shape_cast %scan3A_585#2 : vector<16xf32> to vector<1x16xf32>
      tpu.vector_store %arg6[%swap3A_609, %swap3A_610], %swap3A_613 {strides = array<i32>} : memref<128x128xf32, #tpu.memory_space<vmem>>, vector<1x16xf32>,
      %mul3A_614 = arith.constant 2 : i32
      %mul3A_615 = arith.muli %add3A_534, %mul3A_614 : i32
      %add3A_616 = arith.constant 0 : i32
      %add3A_617 = arith.addi %mul3A_615, %add3A_616 : i32
      %swap3A_618 = arith.index_cast %add3A_617 : i32 to index
      %swap3A_619 = arith.constant 48 : index
      %swap3A_620 = tpu.vector_load %arg6[%swap3A_618, %swap3A_619] {strides = array<i32>} : memref<128x128xf32, #tpu.memory_space<vmem>>, vector<1x16xf32>,
      %swap3A_621 = vector.shape_cast %swap3A_620 : vector<1x16xf32> to vector<16xf32>
      %swap3A_622 = vector.shape_cast %scan3A_585#3 : vector<16xf32> to vector<1x16xf32>
      tpu.vector_store %arg6[%swap3A_618, %swap3A_619], %swap3A_622 {strides = array<i32>} : memref<128x128xf32, #tpu.memory_space<vmem>>, vector<1x16xf32>,
      %mul3A_623 = arith.constant 2 : i32
      %mul3A_624 = arith.muli %add3A_534, %mul3A_623 : i32
      %add3A_625 = arith.constant 0 : i32
      %add3A_626 = arith.addi %mul3A_624, %add3A_625 : i32
      %swap3A_627 = arith.index_cast %add3A_626 : i32 to index
      %swap3A_628 = arith.constant 64 : index
      %swap3A_629 = tpu.vector_load %arg6[%swap3A_627, %swap3A_628] {strides = array<i32>} : memref<128x128xf32, #tpu.memory_space<vmem>>, vector<1x16xf32>,
      %swap3A_630 = vector.shape_cast %swap3A_629 : vector<1x16xf32> to vector<16xf32>
      %swap3A_631 = vector.shape_cast %scan3A_585#4 : vector<16xf32> to vector<1x16xf32>
      tpu.vector_store %arg6[%swap3A_627, %swap3A_628], %swap3A_631 {strides = array<i32>} : memref<128x128xf32, #tpu.memory_space<vmem>>, vector<1x16xf32>,
      %mul3A_632 = arith.constant 2 : i32
      %mul3A_633 = arith.muli %add3A_534, %mul3A_632 : i32
      %add3A_634 = arith.constant 0 : i32
      %add3A_635 = arith.addi %mul3A_633, %add3A_634 : i32
      %swap3A_636 = arith.index_cast %add3A_635 : i32 to index
      %swap3A_637 = arith.constant 80 : index
      %swap3A_638 = tpu.vector_load %arg6[%swap3A_636, %swap3A_637] {strides = array<i32>} : memref<128x128xf32, #tpu.memory_space<vmem>>, vector<1x16xf32>,
      %swap3A_639 = vector.shape_cast %swap3A_638 : vector<1x16xf32> to vector<16xf32>
      %swap3A_640 = vector.shape_cast %scan3A_585#5 : vector<16xf32> to vector<1x16xf32>
      tpu.vector_store %arg6[%swap3A_636, %swap3A_637], %swap3A_640 {strides = array<i32>} : memref<128x128xf32, #tpu.memory_space<vmem>>, vector<1x16xf32>,
      %mul3A_641 = arith.constant 2 : i32
      %mul3A_642 = arith.muli %add3A_534, %mul3A_641 : i32
      %add3A_643 = arith.constant 0 : i32
      %add3A_644 = arith.addi %mul3A_642, %add3A_643 : i32
      %swap3A_645 = arith.index_cast %add3A_644 : i32 to index
      %swap3A_646 = arith.constant 96 : index
      %swap3A_647 = tpu.vector_load %arg6[%swap3A_645, %swap3A_646] {strides = array<i32>} : memref<128x128xf32, #tpu.memory_space<vmem>>, vector<1x16xf32>,
      %swap3A_648 = vector.shape_cast %swap3A_647 : vector<1x16xf32> to vector<16xf32>
      %swap3A_649 = vector.shape_cast %scan3A_585#6 : vector<16xf32> to vector<1x16xf32>
      tpu.vector_store %arg6[%swap3A_645, %swap3A_646], %swap3A_649 {strides = array<i32>} : memref<128x128xf32, #tpu.memory_space<vmem>>, vector<1x16xf32>,
      %mul3A_650 = arith.constant 2 : i32
      %mul3A_651 = arith.muli %add3A_534, %mul3A_650 : i32
      %add3A_652 = arith.constant 0 : i32
      %add3A_653 = arith.addi %mul3A_651, %add3A_652 : i32
      %swap3A_654 = arith.index_cast %add3A_653 : i32 to index
      %swap3A_655 = arith.constant 112 : index
      %swap3A_656 = tpu.vector_load %arg6[%swap3A_654, %swap3A_655] {strides = array<i32>} : memref<128x128xf32, #tpu.memory_space<vmem>>, vector<1x16xf32>,
      %swap3A_657 = vector.shape_cast %swap3A_656 : vector<1x16xf32> to vector<16xf32>
      %swap3A_658 = vector.shape_cast %scan3A_585#7 : vector<16xf32> to vector<1x16xf32>
      tpu.vector_store %arg6[%swap3A_654, %swap3A_655], %swap3A_658 {strides = array<i32>} : memref<128x128xf32, #tpu.memory_space<vmem>>, vector<1x16xf32>,
      %get3A_659 = arith.constant 50 : i32
      %get3A_660 = arith.index_cast %get3A_659 : i32 to index
      %get3A_661 = arith.constant 0 : index
      %get3A_662 = tpu.vector_load %arg9[%get3A_660, %get3A_661] {strides = array<i32>} : memref<100x128xf32, #tpu.memory_space<vmem>>, vector<1x16xf32>,
      %get3A_663 = vector.shape_cast %get3A_662 : vector<1x16xf32> to vector<16xf32>
      %get3A_664 = arith.constant 50 : i32
      %get3A_665 = arith.index_cast %get3A_664 : i32 to index
      %get3A_666 = arith.constant 16 : index
      %get3A_667 = tpu.vector_load %arg9[%get3A_665, %get3A_666] {strides = array<i32>} : memref<100x128xf32, #tpu.memory_space<vmem>>, vector<1x16xf32>,
      %get3A_668 = vector.shape_cast %get3A_667 : vector<1x16xf32> to vector<16xf32>
      %get3A_669 = arith.constant 50 : i32
      %get3A_670 = arith.index_cast %get3A_669 : i32 to index
      %get3A_671 = arith.constant 32 : index
      %get3A_672 = tpu.vector_load %arg9[%get3A_670, %get3A_671] {strides = array<i32>} : memref<100x128xf32, #tpu.memory_space<vmem>>, vector<1x16xf32>,
      %get3A_673 = vector.shape_cast %get3A_672 : vector<1x16xf32> to vector<16xf32>
      %get3A_674 = arith.constant 50 : i32
      %get3A_675 = arith.index_cast %get3A_674 : i32 to index
      %get3A_676 = arith.constant 48 : index
      %get3A_677 = tpu.vector_load %arg9[%get3A_675, %get3A_676] {strides = array<i32>} : memref<100x128xf32, #tpu.memory_space<vmem>>, vector<1x16xf32>,
      %get3A_678 = vector.shape_cast %get3A_677 : vector<1x16xf32> to vector<16xf32>
      %get3A_679 = arith.constant 50 : i32
      %get3A_680 = arith.index_cast %get3A_679 : i32 to index
      %get3A_681 = arith.constant 64 : index
      %get3A_682 = tpu.vector_load %arg9[%get3A_680, %get3A_681] {strides = array<i32>} : memref<100x128xf32, #tpu.memory_space<vmem>>, vector<1x16xf32>,
      %get3A_683 = vector.shape_cast %get3A_682 : vector<1x16xf32> to vector<16xf32>
      %get3A_684 = arith.constant 50 : i32
      %get3A_685 = arith.index_cast %get3A_684 : i32 to index
      %get3A_686 = arith.constant 80 : index
      %get3A_687 = tpu.vector_load %arg9[%get3A_685, %get3A_686] {strides = array<i32>} : memref<100x128xf32, #tpu.memory_space<vmem>>, vector<1x16xf32>,
      %get3A_688 = vector.shape_cast %get3A_687 : vector<1x16xf32> to vector<16xf32>
      %get3A_689 = arith.constant 50 : i32
      %get3A_690 = arith.index_cast %get3A_689 : i32 to index
      %get3A_691 = arith.constant 96 : index
      %get3A_692 = tpu.vector_load %arg9[%get3A_690, %get3A_691] {strides = array<i32>} : memref<100x128xf32, #tpu.memory_space<vmem>>, vector<1x16xf32>,
      %get3A_693 = vector.shape_cast %get3A_692 : vector<1x16xf32> to vector<16xf32>
      %get3A_694 = arith.constant 50 : i32
      %get3A_695 = arith.index_cast %get3A_694 : i32 to index
      %get3A_696 = arith.constant 112 : index
      %get3A_697 = tpu.vector_load %arg9[%get3A_695, %get3A_696] {strides = array<i32>} : memref<100x128xf32, #tpu.memory_space<vmem>>, vector<1x16xf32>,
      %get3A_698 = vector.shape_cast %get3A_697 : vector<1x16xf32> to vector<16xf32>
      %scan3A_699 = arith.constant 1 : i32
      %scan3A_700 = arith.constant 49 : i32
      %scan3A_701 = arith.addi %scan3A_699, %scan3A_700 : i32
      %scan3A_702 = arith.constant 1 : i32
      %scan3A_703:8 = scf.for %scan3A_1035 = %scan3A_699 to %scan3A_701 step %scan3A_702 iter_args(%scan3A_1036 = %get3A_663, %scan3A_1037 = %get3A_668, %scan3A_1038 = %get3A_673, %scan3A_1039 = %get3A_678, %scan3A_1040 = %get3A_683, %scan3A_1041 = %get3A_688, %scan3A_1042 = %get3A_693, %scan3A_1043 = %get3A_698) -> (vector<16xf32>, vector<16xf32>, vector<16xf32>, vector<16xf32>, vector<16xf32>, vector<16xf32>, vector<16xf32>, vector<16xf32>)  : i32 {
        %add3A_1044 = arith.constant 50 : i32
        %add3A_1045 = arith.addi %add3A_1044, %scan3A_1035 : i32
        %get3A_1046 = arith.index_cast %add3A_1045 : i32 to index
        %get3A_1047 = arith.constant 0 : index
        %get3A_1048 = tpu.vector_load %arg9[%get3A_1046, %get3A_1047] {strides = array<i32>} : memref<100x128xf32, #tpu.memory_space<vmem>>, vector<1x16xf32>,
        %get3A_1049 = vector.shape_cast %get3A_1048 : vector<1x16xf32> to vector<16xf32>
        %add3A_1050 = arith.addf %scan3A_1036, %get3A_1049 : vector<16xf32>
        %add3A_1051 = arith.constant 50 : i32
        %add3A_1052 = arith.addi %add3A_1051, %scan3A_1035 : i32
        %get3A_1053 = arith.index_cast %add3A_1052 : i32 to index
        %get3A_1054 = arith.constant 16 : index
        %get3A_1055 = tpu.vector_load %arg9[%get3A_1053, %get3A_1054] {strides = array<i32>} : memref<100x128xf32, #tpu.memory_space<vmem>>, vector<1x16xf32>,
        %get3A_1056 = vector.shape_cast %get3A_1055 : vector<1x16xf32> to vector<16xf32>
        %add3A_1057 = arith.addf %scan3A_1037, %get3A_1056 : vector<16xf32>
        %add3A_1058 = arith.constant 50 : i32
        %add3A_1059 = arith.addi %add3A_1058, %scan3A_1035 : i32
        %get3A_1060 = arith.index_cast %add3A_1059 : i32 to index
        %get3A_1061 = arith.constant 32 : index
        %get3A_1062 = tpu.vector_load %arg9[%get3A_1060, %get3A_1061] {strides = array<i32>} : memref<100x128xf32, #tpu.memory_space<vmem>>, vector<1x16xf32>,
        %get3A_1063 = vector.shape_cast %get3A_1062 : vector<1x16xf32> to vector<16xf32>
        %add3A_1064 = arith.addf %scan3A_1038, %get3A_1063 : vector<16xf32>
        %add3A_1065 = arith.constant 50 : i32
        %add3A_1066 = arith.addi %add3A_1065, %scan3A_1035 : i32
        %get3A_1067 = arith.index_cast %add3A_1066 : i32 to index
        %get3A_1068 = arith.constant 48 : index
        %get3A_1069 = tpu.vector_load %arg9[%get3A_1067, %get3A_1068] {strides = array<i32>} : memref<100x128xf32, #tpu.memory_space<vmem>>, vector<1x16xf32>,
        %get3A_1070 = vector.shape_cast %get3A_1069 : vector<1x16xf32> to vector<16xf32>
        %add3A_1071 = arith.addf %scan3A_1039, %get3A_1070 : vector<16xf32>
        %add3A_1072 = arith.constant 50 : i32
        %add3A_1073 = arith.addi %add3A_1072, %scan3A_1035 : i32
        %get3A_1074 = arith.index_cast %add3A_1073 : i32 to index
        %get3A_1075 = arith.constant 64 : index
        %get3A_1076 = tpu.vector_load %arg9[%get3A_1074, %get3A_1075] {strides = array<i32>} : memref<100x128xf32, #tpu.memory_space<vmem>>, vector<1x16xf32>,
        %get3A_1077 = vector.shape_cast %get3A_1076 : vector<1x16xf32> to vector<16xf32>
        %add3A_1078 = arith.addf %scan3A_1040, %get3A_1077 : vector<16xf32>
        %add3A_1079 = arith.constant 50 : i32
        %add3A_1080 = arith.addi %add3A_1079, %scan3A_1035 : i32
        %get3A_1081 = arith.index_cast %add3A_1080 : i32 to index
        %get3A_1082 = arith.constant 80 : index
        %get3A_1083 = tpu.vector_load %arg9[%get3A_1081, %get3A_1082] {strides = array<i32>} : memref<100x128xf32, #tpu.memory_space<vmem>>, vector<1x16xf32>,
        %get3A_1084 = vector.shape_cast %get3A_1083 : vector<1x16xf32> to vector<16xf32>
        %add3A_1085 = arith.addf %scan3A_1041, %get3A_1084 : vector<16xf32>
        %add3A_1086 = arith.constant 50 : i32
        %add3A_1087 = arith.addi %add3A_1086, %scan3A_1035 : i32
        %get3A_1088 = arith.index_cast %add3A_1087 : i32 to index
        %get3A_1089 = arith.constant 96 : index
        %get3A_1090 = tpu.vector_load %arg9[%get3A_1088, %get3A_1089] {strides = array<i32>} : memref<100x128xf32, #tpu.memory_space<vmem>>, vector<1x16xf32>,
        %get3A_1091 = vector.shape_cast %get3A_1090 : vector<1x16xf32> to vector<16xf32>
        %add3A_1092 = arith.addf %scan3A_1042, %get3A_1091 : vector<16xf32>
        %add3A_1093 = arith.constant 50 : i32
        %add3A_1094 = arith.addi %add3A_1093, %scan3A_1035 : i32
        %get3A_1095 = arith.index_cast %add3A_1094 : i32 to index
        %get3A_1096 = arith.constant 112 : index
        %get3A_1097 = tpu.vector_load %arg9[%get3A_1095, %get3A_1096] {strides = array<i32>} : memref<100x128xf32, #tpu.memory_space<vmem>>, vector<1x16xf32>,
        %get3A_1098 = vector.shape_cast %get3A_1097 : vector<1x16xf32> to vector<16xf32>
        %add3A_1099 = arith.addf %scan3A_1043, %get3A_1098 : vector<16xf32>
        scf.yield %add3A_1050, %add3A_1057, %add3A_1064, %add3A_1071, %add3A_1078, %add3A_1085, %add3A_1092, %add3A_1099 : vector<16xf32>, vector<16xf32>, vector<16xf32>, vector<16xf32>, vector<16xf32>, vector<16xf32>, vector<16xf32>, vector<16xf32>
      }
      %scan3A_704 = arith.constant 49 : i32
      %mul3A_705 = arith.constant 2 : i32
      %mul3A_706 = arith.muli %add3A_534, %mul3A_705 : i32
      %add3A_707 = arith.constant 1 : i32
      %add3A_708 = arith.addi %mul3A_706, %add3A_707 : i32
      %swap3A_709 = arith.index_cast %add3A_708 : i32 to index
      %swap3A_710 = arith.constant 0 : index
      %swap3A_711 = tpu.vector_load %arg6[%swap3A_709, %swap3A_710] {strides = array<i32>} : memref<128x128xf32, #tpu.memory_space<vmem>>, vector<1x16xf32>,
      %swap3A_712 = vector.shape_cast %swap3A_711 : vector<1x16xf32> to vector<16xf32>
      %swap3A_713 = vector.shape_cast %scan3A_703#0 : vector<16xf32> to vector<1x16xf32>
      tpu.vector_store %arg6[%swap3A_709, %swap3A_710], %swap3A_713 {strides = array<i32>} : memref<128x128xf32, #tpu.memory_space<vmem>>, vector<1x16xf32>,
      %mul3A_714 = arith.constant 2 : i32
      %mul3A_715 = arith.muli %add3A_534, %mul3A_714 : i32
      %add3A_716 = arith.constant 1 : i32
      %add3A_717 = arith.addi %mul3A_715, %add3A_716 : i32
      %swap3A_718 = arith.index_cast %add3A_717 : i32 to index
      %swap3A_719 = arith.constant 16 : index
      %swap3A_720 = tpu.vector_load %arg6[%swap3A_718, %swap3A_719] {strides = array<i32>} : memref<128x128xf32, #tpu.memory_space<vmem>>, vector<1x16xf32>,
      %swap3A_721 = vector.shape_cast %swap3A_720 : vector<1x16xf32> to vector<16xf32>
      %swap3A_722 = vector.shape_cast %scan3A_703#1 : vector<16xf32> to vector<1x16xf32>
      tpu.vector_store %arg6[%swap3A_718, %swap3A_719], %swap3A_722 {strides = array<i32>} : memref<128x128xf32, #tpu.memory_space<vmem>>, vector<1x16xf32>,
      %mul3A_723 = arith.constant 2 : i32
      %mul3A_724 = arith.muli %add3A_534, %mul3A_723 : i32
      %add3A_725 = arith.constant 1 : i32
      %add3A_726 = arith.addi %mul3A_724, %add3A_725 : i32
      %swap3A_727 = arith.index_cast %add3A_726 : i32 to index
      %swap3A_728 = arith.constant 32 : index
      %swap3A_729 = tpu.vector_load %arg6[%swap3A_727, %swap3A_728] {strides = array<i32>} : memref<128x128xf32, #tpu.memory_space<vmem>>, vector<1x16xf32>,
      %swap3A_730 = vector.shape_cast %swap3A_729 : vector<1x16xf32> to vector<16xf32>
      %swap3A_731 = vector.shape_cast %scan3A_703#2 : vector<16xf32> to vector<1x16xf32>
      tpu.vector_store %arg6[%swap3A_727, %swap3A_728], %swap3A_731 {strides = array<i32>} : memref<128x128xf32, #tpu.memory_space<vmem>>, vector<1x16xf32>,
      %mul3A_732 = arith.constant 2 : i32
      %mul3A_733 = arith.muli %add3A_534, %mul3A_732 : i32
      %add3A_734 = arith.constant 1 : i32
      %add3A_735 = arith.addi %mul3A_733, %add3A_734 : i32
      %swap3A_736 = arith.index_cast %add3A_735 : i32 to index
      %swap3A_737 = arith.constant 48 : index
      %swap3A_738 = tpu.vector_load %arg6[%swap3A_736, %swap3A_737] {strides = array<i32>} : memref<128x128xf32, #tpu.memory_space<vmem>>, vector<1x16xf32>,
      %swap3A_739 = vector.shape_cast %swap3A_738 : vector<1x16xf32> to vector<16xf32>
      %swap3A_740 = vector.shape_cast %scan3A_703#3 : vector<16xf32> to vector<1x16xf32>
      tpu.vector_store %arg6[%swap3A_736, %swap3A_737], %swap3A_740 {strides = array<i32>} : memref<128x128xf32, #tpu.memory_space<vmem>>, vector<1x16xf32>,
      %mul3A_741 = arith.constant 2 : i32
      %mul3A_742 = arith.muli %add3A_534, %mul3A_741 : i32
      %add3A_743 = arith.constant 1 : i32
      %add3A_744 = arith.addi %mul3A_742, %add3A_743 : i32
      %swap3A_745 = arith.index_cast %add3A_744 : i32 to index
      %swap3A_746 = arith.constant 64 : index
      %swap3A_747 = tpu.vector_load %arg6[%swap3A_745, %swap3A_746] {strides = array<i32>} : memref<128x128xf32, #tpu.memory_space<vmem>>, vector<1x16xf32>,
      %swap3A_748 = vector.shape_cast %swap3A_747 : vector<1x16xf32> to vector<16xf32>
      %swap3A_749 = vector.shape_cast %scan3A_703#4 : vector<16xf32> to vector<1x16xf32>
      tpu.vector_store %arg6[%swap3A_745, %swap3A_746], %swap3A_749 {strides = array<i32>} : memref<128x128xf32, #tpu.memory_space<vmem>>, vector<1x16xf32>,
      %mul3A_750 = arith.constant 2 : i32
      %mul3A_751 = arith.muli %add3A_534, %mul3A_750 : i32
      %add3A_752 = arith.constant 1 : i32
      %add3A_753 = arith.addi %mul3A_751, %add3A_752 : i32
      %swap3A_754 = arith.index_cast %add3A_753 : i32 to index
      %swap3A_755 = arith.constant 80 : index
      %swap3A_756 = tpu.vector_load %arg6[%swap3A_754, %swap3A_755] {strides = array<i32>} : memref<128x128xf32, #tpu.memory_space<vmem>>, vector<1x16xf32>,
      %swap3A_757 = vector.shape_cast %swap3A_756 : vector<1x16xf32> to vector<16xf32>
      %swap3A_758 = vector.shape_cast %scan3A_703#5 : vector<16xf32> to vector<1x16xf32>
      tpu.vector_store %arg6[%swap3A_754, %swap3A_755], %swap3A_758 {strides = array<i32>} : memref<128x128xf32, #tpu.memory_space<vmem>>, vector<1x16xf32>,
      %mul3A_759 = arith.constant 2 : i32
      %mul3A_760 = arith.muli %add3A_534, %mul3A_759 : i32
      %add3A_761 = arith.constant 1 : i32
      %add3A_762 = arith.addi %mul3A_760, %add3A_761 : i32
      %swap3A_763 = arith.index_cast %add3A_762 : i32 to index
      %swap3A_764 = arith.constant 96 : index
      %swap3A_765 = tpu.vector_load %arg6[%swap3A_763, %swap3A_764] {strides = array<i32>} : memref<128x128xf32, #tpu.memory_space<vmem>>, vector<1x16xf32>,
      %swap3A_766 = vector.shape_cast %swap3A_765 : vector<1x16xf32> to vector<16xf32>
      %swap3A_767 = vector.shape_cast %scan3A_703#6 : vector<16xf32> to vector<1x16xf32>
      tpu.vector_store %arg6[%swap3A_763, %swap3A_764], %swap3A_767 {strides = array<i32>} : memref<128x128xf32, #tpu.memory_space<vmem>>, vector<1x16xf32>,
      %mul3A_768 = arith.constant 2 : i32
      %mul3A_769 = arith.muli %add3A_534, %mul3A_768 : i32
      %add3A_770 = arith.constant 1 : i32
      %add3A_771 = arith.addi %mul3A_769, %add3A_770 : i32
      %swap3A_772 = arith.index_cast %add3A_771 : i32 to index
      %swap3A_773 = arith.constant 112 : index
      %swap3A_774 = tpu.vector_load %arg6[%swap3A_772, %swap3A_773] {strides = array<i32>} : memref<128x128xf32, #tpu.memory_space<vmem>>, vector<1x16xf32>,
      %swap3A_775 = vector.shape_cast %swap3A_774 : vector<1x16xf32> to vector<16xf32>
      %swap3A_776 = vector.shape_cast %scan3A_703#7 : vector<16xf32> to vector<1x16xf32>
      tpu.vector_store %arg6[%swap3A_772, %swap3A_773], %swap3A_776 {strides = array<i32>} : memref<128x128xf32, #tpu.memory_space<vmem>>, vector<1x16xf32>,
      %add3A_777 = arith.constant 4 : i32
      %add3A_778 = arith.addi %add3A_534, %add3A_777 : i32
      %lt3A_779 = arith.constant 64 : i32
      %lt3A_780 = arith.cmpi slt, %add3A_778, %lt3A_779 : i32
      %convert_element_type3A_781 = arith.extui %lt3A_780 : i1 to i32
      %cond3A_782 = arith.constant 0 : i32
      %cond3A_783 = arith.cmpi ne, %convert_element_type3A_781, %cond3A_782 : i32
      scf.if %cond3A_783 {
        %dma_start3A_1035 = arith.constant 0 : i32
        %dma_start3A_1036 = tpu.memref_slice %arg5[%add3A_778, %dma_start3A_1035] : memref<64x100xi32, #tpu.memory_space<vmem>> -> memref<1x100xi32, #tpu.memory_space<vmem>>
        %dma_start3A_1037 = tpu.memref_squeeze %dma_start3A_1036 : memref<1x100xi32, #tpu.memory_space<vmem>> -> memref<100xi32, #tpu.memory_space<vmem>>
        %dma_start3A_1038 = arith.constant 0 : i32
        %dma_start3A_1039 = arith.constant 0 : i32
        %dma_start3A_1040 = tpu.memref_slice %arg3[%dma_start3A_1038, %dma_start3A_1039] : memref<100000x128xf32, #tpu.memory_space<hbm>> -> memref<100000x128xf32, #tpu.memory_space<hbm>>
        tpu.enqueue_indirect_dma source(%dma_start3A_1040 : memref<100000x128xf32, #tpu.memory_space<hbm>>) target(%arg9 : memref<100x128xf32, #tpu.memory_space<vmem>>) offsets(%dma_start3A_1037 : memref<100xi32, #tpu.memory_space<vmem>>) semaphore(%arg13 : memref<!tpu.dma_semaphore, #tpu.memory_space<semaphore_mem>>)
      } else {
      }
      %add3A_784 = arith.constant 3 : i32
      %add3A_785 = arith.addi %mul3A_36, %add3A_784 : i32
      %dma_wait3A_786 = arith.constant 0 : i32
      %dma_wait3A_787 = tpu.memref_slice %arg5[%add3A_785, %dma_wait3A_786] : memref<64x100xi32, #tpu.memory_space<vmem>> -> memref<1x100xi32, #tpu.memory_space<vmem>>
      %dma_wait3A_788 = tpu.memref_squeeze %dma_wait3A_787 : memref<1x100xi32, #tpu.memory_space<vmem>> -> memref<100xi32, #tpu.memory_space<vmem>>
      %dma_wait3A_789 = arith.constant 0 : i32
      %dma_wait3A_790 = arith.constant 0 : i32
      %dma_wait3A_791 = tpu.memref_slice %arg3[%dma_wait3A_789, %dma_wait3A_790] : memref<100000x128xf32, #tpu.memory_space<hbm>> -> memref<100000x128xf32, #tpu.memory_space<hbm>>
      tpu.wait_indirect_dma semaphore(%arg14 : memref<!tpu.dma_semaphore, #tpu.memory_space<semaphore_mem>>) src(%dma_wait3A_791 : memref<100000x128xf32, #tpu.memory_space<hbm>>) dst(%arg10 : memref<100x128xf32, #tpu.memory_space<vmem>>)
      %get3A_792 = arith.constant 0 : i32
      %get3A_793 = arith.index_cast %get3A_792 : i32 to index
      %get3A_794 = arith.constant 0 : index
      %get3A_795 = tpu.vector_load %arg10[%get3A_793, %get3A_794] {strides = array<i32>} : memref<100x128xf32, #tpu.memory_space<vmem>>, vector<1x16xf32>,
      %get3A_796 = vector.shape_cast %get3A_795 : vector<1x16xf32> to vector<16xf32>
      %get3A_797 = arith.constant 0 : i32
      %get3A_798 = arith.index_cast %get3A_797 : i32 to index
      %get3A_799 = arith.constant 16 : index
      %get3A_800 = tpu.vector_load %arg10[%get3A_798, %get3A_799] {strides = array<i32>} : memref<100x128xf32, #tpu.memory_space<vmem>>, vector<1x16xf32>,
      %get3A_801 = vector.shape_cast %get3A_800 : vector<1x16xf32> to vector<16xf32>
      %get3A_802 = arith.constant 0 : i32
      %get3A_803 = arith.index_cast %get3A_802 : i32 to index
      %get3A_804 = arith.constant 32 : index
      %get3A_805 = tpu.vector_load %arg10[%get3A_803, %get3A_804] {strides = array<i32>} : memref<100x128xf32, #tpu.memory_space<vmem>>, vector<1x16xf32>,
      %get3A_806 = vector.shape_cast %get3A_805 : vector<1x16xf32> to vector<16xf32>
      %get3A_807 = arith.constant 0 : i32
      %get3A_808 = arith.index_cast %get3A_807 : i32 to index
      %get3A_809 = arith.constant 48 : index
      %get3A_810 = tpu.vector_load %arg10[%get3A_808, %get3A_809] {strides = array<i32>} : memref<100x128xf32, #tpu.memory_space<vmem>>, vector<1x16xf32>,
      %get3A_811 = vector.shape_cast %get3A_810 : vector<1x16xf32> to vector<16xf32>
      %get3A_812 = arith.constant 0 : i32
      %get3A_813 = arith.index_cast %get3A_812 : i32 to index
      %get3A_814 = arith.constant 64 : index
      %get3A_815 = tpu.vector_load %arg10[%get3A_813, %get3A_814] {strides = array<i32>} : memref<100x128xf32, #tpu.memory_space<vmem>>, vector<1x16xf32>,
      %get3A_816 = vector.shape_cast %get3A_815 : vector<1x16xf32> to vector<16xf32>
      %get3A_817 = arith.constant 0 : i32
      %get3A_818 = arith.index_cast %get3A_817 : i32 to index
      %get3A_819 = arith.constant 80 : index
      %get3A_820 = tpu.vector_load %arg10[%get3A_818, %get3A_819] {strides = array<i32>} : memref<100x128xf32, #tpu.memory_space<vmem>>, vector<1x16xf32>,
      %get3A_821 = vector.shape_cast %get3A_820 : vector<1x16xf32> to vector<16xf32>
      %get3A_822 = arith.constant 0 : i32
      %get3A_823 = arith.index_cast %get3A_822 : i32 to index
      %get3A_824 = arith.constant 96 : index
      %get3A_825 = tpu.vector_load %arg10[%get3A_823, %get3A_824] {strides = array<i32>} : memref<100x128xf32, #tpu.memory_space<vmem>>, vector<1x16xf32>,
      %get3A_826 = vector.shape_cast %get3A_825 : vector<1x16xf32> to vector<16xf32>
      %get3A_827 = arith.constant 0 : i32
      %get3A_828 = arith.index_cast %get3A_827 : i32 to index
      %get3A_829 = arith.constant 112 : index
      %get3A_830 = tpu.vector_load %arg10[%get3A_828, %get3A_829] {strides = array<i32>} : memref<100x128xf32, #tpu.memory_space<vmem>>, vector<1x16xf32>,
      %get3A_831 = vector.shape_cast %get3A_830 : vector<1x16xf32> to vector<16xf32>
      %scan3A_832 = arith.constant 1 : i32
      %scan3A_833 = arith.constant 49 : i32
      %scan3A_834 = arith.addi %scan3A_832, %scan3A_833 : i32
      %scan3A_835 = arith.constant 1 : i32
      %scan3A_836:8 = scf.for %scan3A_1035 = %scan3A_832 to %scan3A_834 step %scan3A_835 iter_args(%scan3A_1036 = %get3A_796, %scan3A_1037 = %get3A_801, %scan3A_1038 = %get3A_806, %scan3A_1039 = %get3A_811, %scan3A_1040 = %get3A_816, %scan3A_1041 = %get3A_821, %scan3A_1042 = %get3A_826, %scan3A_1043 = %get3A_831) -> (vector<16xf32>, vector<16xf32>, vector<16xf32>, vector<16xf32>, vector<16xf32>, vector<16xf32>, vector<16xf32>, vector<16xf32>)  : i32 {
        %add3A_1044 = arith.constant 0 : i32
        %add3A_1045 = arith.addi %add3A_1044, %scan3A_1035 : i32
        %get3A_1046 = arith.index_cast %add3A_1045 : i32 to index
        %get3A_1047 = arith.constant 0 : index
        %get3A_1048 = tpu.vector_load %arg10[%get3A_1046, %get3A_1047] {strides = array<i32>} : memref<100x128xf32, #tpu.memory_space<vmem>>, vector<1x16xf32>,
        %get3A_1049 = vector.shape_cast %get3A_1048 : vector<1x16xf32> to vector<16xf32>
        %add3A_1050 = arith.addf %scan3A_1036, %get3A_1049 : vector<16xf32>
        %add3A_1051 = arith.constant 0 : i32
        %add3A_1052 = arith.addi %add3A_1051, %scan3A_1035 : i32
        %get3A_1053 = arith.index_cast %add3A_1052 : i32 to index
        %get3A_1054 = arith.constant 16 : index
        %get3A_1055 = tpu.vector_load %arg10[%get3A_1053, %get3A_1054] {strides = array<i32>} : memref<100x128xf32, #tpu.memory_space<vmem>>, vector<1x16xf32>,
        %get3A_1056 = vector.shape_cast %get3A_1055 : vector<1x16xf32> to vector<16xf32>
        %add3A_1057 = arith.addf %scan3A_1037, %get3A_1056 : vector<16xf32>
        %add3A_1058 = arith.constant 0 : i32
        %add3A_1059 = arith.addi %add3A_1058, %scan3A_1035 : i32
        %get3A_1060 = arith.index_cast %add3A_1059 : i32 to index
        %get3A_1061 = arith.constant 32 : index
        %get3A_1062 = tpu.vector_load %arg10[%get3A_1060, %get3A_1061] {strides = array<i32>} : memref<100x128xf32, #tpu.memory_space<vmem>>, vector<1x16xf32>,
        %get3A_1063 = vector.shape_cast %get3A_1062 : vector<1x16xf32> to vector<16xf32>
        %add3A_1064 = arith.addf %scan3A_1038, %get3A_1063 : vector<16xf32>
        %add3A_1065 = arith.constant 0 : i32
        %add3A_1066 = arith.addi %add3A_1065, %scan3A_1035 : i32
        %get3A_1067 = arith.index_cast %add3A_1066 : i32 to index
        %get3A_1068 = arith.constant 48 : index
        %get3A_1069 = tpu.vector_load %arg10[%get3A_1067, %get3A_1068] {strides = array<i32>} : memref<100x128xf32, #tpu.memory_space<vmem>>, vector<1x16xf32>,
        %get3A_1070 = vector.shape_cast %get3A_1069 : vector<1x16xf32> to vector<16xf32>
        %add3A_1071 = arith.addf %scan3A_1039, %get3A_1070 : vector<16xf32>
        %add3A_1072 = arith.constant 0 : i32
        %add3A_1073 = arith.addi %add3A_1072, %scan3A_1035 : i32
        %get3A_1074 = arith.index_cast %add3A_1073 : i32 to index
        %get3A_1075 = arith.constant 64 : index
        %get3A_1076 = tpu.vector_load %arg10[%get3A_1074, %get3A_1075] {strides = array<i32>} : memref<100x128xf32, #tpu.memory_space<vmem>>, vector<1x16xf32>,
        %get3A_1077 = vector.shape_cast %get3A_1076 : vector<1x16xf32> to vector<16xf32>
        %add3A_1078 = arith.addf %scan3A_1040, %get3A_1077 : vector<16xf32>
        %add3A_1079 = arith.constant 0 : i32
        %add3A_1080 = arith.addi %add3A_1079, %scan3A_1035 : i32
        %get3A_1081 = arith.index_cast %add3A_1080 : i32 to index
        %get3A_1082 = arith.constant 80 : index
        %get3A_1083 = tpu.vector_load %arg10[%get3A_1081, %get3A_1082] {strides = array<i32>} : memref<100x128xf32, #tpu.memory_space<vmem>>, vector<1x16xf32>,
        %get3A_1084 = vector.shape_cast %get3A_1083 : vector<1x16xf32> to vector<16xf32>
        %add3A_1085 = arith.addf %scan3A_1041, %get3A_1084 : vector<16xf32>
        %add3A_1086 = arith.constant 0 : i32
        %add3A_1087 = arith.addi %add3A_1086, %scan3A_1035 : i32
        %get3A_1088 = arith.index_cast %add3A_1087 : i32 to index
        %get3A_1089 = arith.constant 96 : index
        %get3A_1090 = tpu.vector_load %arg10[%get3A_1088, %get3A_1089] {strides = array<i32>} : memref<100x128xf32, #tpu.memory_space<vmem>>, vector<1x16xf32>,
        %get3A_1091 = vector.shape_cast %get3A_1090 : vector<1x16xf32> to vector<16xf32>
        %add3A_1092 = arith.addf %scan3A_1042, %get3A_1091 : vector<16xf32>
        %add3A_1093 = arith.constant 0 : i32
        %add3A_1094 = arith.addi %add3A_1093, %scan3A_1035 : i32
        %get3A_1095 = arith.index_cast %add3A_1094 : i32 to index
        %get3A_1096 = arith.constant 112 : index
        %get3A_1097 = tpu.vector_load %arg10[%get3A_1095, %get3A_1096] {strides = array<i32>} : memref<100x128xf32, #tpu.memory_space<vmem>>, vector<1x16xf32>,
        %get3A_1098 = vector.shape_cast %get3A_1097 : vector<1x16xf32> to vector<16xf32>
        %add3A_1099 = arith.addf %scan3A_1043, %get3A_1098 : vector<16xf32>
        scf.yield %add3A_1050, %add3A_1057, %add3A_1064, %add3A_1071, %add3A_1078, %add3A_1085, %add3A_1092, %add3A_1099 : vector<16xf32>, vector<16xf32>, vector<16xf32>, vector<16xf32>, vector<16xf32>, vector<16xf32>, vector<16xf32>, vector<16xf32>
      }
      %scan3A_837 = arith.constant 49 : i32
      %mul3A_838 = arith.constant 2 : i32
      %mul3A_839 = arith.muli %add3A_785, %mul3A_838 : i32
      %add3A_840 = arith.constant 0 : i32
      %add3A_841 = arith.addi %mul3A_839, %add3A_840 : i32
      %swap3A_842 = arith.index_cast %add3A_841 : i32 to index
      %swap3A_843 = arith.constant 0 : index
      %swap3A_844 = tpu.vector_load %arg6[%swap3A_842, %swap3A_843] {strides = array<i32>} : memref<128x128xf32, #tpu.memory_space<vmem>>, vector<1x16xf32>,
      %swap3A_845 = vector.shape_cast %swap3A_844 : vector<1x16xf32> to vector<16xf32>
      %swap3A_846 = vector.shape_cast %scan3A_836#0 : vector<16xf32> to vector<1x16xf32>
      tpu.vector_store %arg6[%swap3A_842, %swap3A_843], %swap3A_846 {strides = array<i32>} : memref<128x128xf32, #tpu.memory_space<vmem>>, vector<1x16xf32>,
      %mul3A_847 = arith.constant 2 : i32
      %mul3A_848 = arith.muli %add3A_785, %mul3A_847 : i32
      %add3A_849 = arith.constant 0 : i32
      %add3A_850 = arith.addi %mul3A_848, %add3A_849 : i32
      %swap3A_851 = arith.index_cast %add3A_850 : i32 to index
      %swap3A_852 = arith.constant 16 : index
      %swap3A_853 = tpu.vector_load %arg6[%swap3A_851, %swap3A_852] {strides = array<i32>} : memref<128x128xf32, #tpu.memory_space<vmem>>, vector<1x16xf32>,
      %swap3A_854 = vector.shape_cast %swap3A_853 : vector<1x16xf32> to vector<16xf32>
      %swap3A_855 = vector.shape_cast %scan3A_836#1 : vector<16xf32> to vector<1x16xf32>
      tpu.vector_store %arg6[%swap3A_851, %swap3A_852], %swap3A_855 {strides = array<i32>} : memref<128x128xf32, #tpu.memory_space<vmem>>, vector<1x16xf32>,
      %mul3A_856 = arith.constant 2 : i32
      %mul3A_857 = arith.muli %add3A_785, %mul3A_856 : i32
      %add3A_858 = arith.constant 0 : i32
      %add3A_859 = arith.addi %mul3A_857, %add3A_858 : i32
      %swap3A_860 = arith.index_cast %add3A_859 : i32 to index
      %swap3A_861 = arith.constant 32 : index
      %swap3A_862 = tpu.vector_load %arg6[%swap3A_860, %swap3A_861] {strides = array<i32>} : memref<128x128xf32, #tpu.memory_space<vmem>>, vector<1x16xf32>,
      %swap3A_863 = vector.shape_cast %swap3A_862 : vector<1x16xf32> to vector<16xf32>
      %swap3A_864 = vector.shape_cast %scan3A_836#2 : vector<16xf32> to vector<1x16xf32>
      tpu.vector_store %arg6[%swap3A_860, %swap3A_861], %swap3A_864 {strides = array<i32>} : memref<128x128xf32, #tpu.memory_space<vmem>>, vector<1x16xf32>,
      %mul3A_865 = arith.constant 2 : i32
      %mul3A_866 = arith.muli %add3A_785, %mul3A_865 : i32
      %add3A_867 = arith.constant 0 : i32
      %add3A_868 = arith.addi %mul3A_866, %add3A_867 : i32
      %swap3A_869 = arith.index_cast %add3A_868 : i32 to index
      %swap3A_870 = arith.constant 48 : index
      %swap3A_871 = tpu.vector_load %arg6[%swap3A_869, %swap3A_870] {strides = array<i32>} : memref<128x128xf32, #tpu.memory_space<vmem>>, vector<1x16xf32>,
      %swap3A_872 = vector.shape_cast %swap3A_871 : vector<1x16xf32> to vector<16xf32>
      %swap3A_873 = vector.shape_cast %scan3A_836#3 : vector<16xf32> to vector<1x16xf32>
      tpu.vector_store %arg6[%swap3A_869, %swap3A_870], %swap3A_873 {strides = array<i32>} : memref<128x128xf32, #tpu.memory_space<vmem>>, vector<1x16xf32>,
      %mul3A_874 = arith.constant 2 : i32
      %mul3A_875 = arith.muli %add3A_785, %mul3A_874 : i32
      %add3A_876 = arith.constant 0 : i32
      %add3A_877 = arith.addi %mul3A_875, %add3A_876 : i32
      %swap3A_878 = arith.index_cast %add3A_877 : i32 to index
      %swap3A_879 = arith.constant 64 : index
      %swap3A_880 = tpu.vector_load %arg6[%swap3A_878, %swap3A_879] {strides = array<i32>} : memref<128x128xf32, #tpu.memory_space<vmem>>, vector<1x16xf32>,
      %swap3A_881 = vector.shape_cast %swap3A_880 : vector<1x16xf32> to vector<16xf32>
      %swap3A_882 = vector.shape_cast %scan3A_836#4 : vector<16xf32> to vector<1x16xf32>
      tpu.vector_store %arg6[%swap3A_878, %swap3A_879], %swap3A_882 {strides = array<i32>} : memref<128x128xf32, #tpu.memory_space<vmem>>, vector<1x16xf32>,
      %mul3A_883 = arith.constant 2 : i32
      %mul3A_884 = arith.muli %add3A_785, %mul3A_883 : i32
      %add3A_885 = arith.constant 0 : i32
      %add3A_886 = arith.addi %mul3A_884, %add3A_885 : i32
      %swap3A_887 = arith.index_cast %add3A_886 : i32 to index
      %swap3A_888 = arith.constant 80 : index
      %swap3A_889 = tpu.vector_load %arg6[%swap3A_887, %swap3A_888] {strides = array<i32>} : memref<128x128xf32, #tpu.memory_space<vmem>>, vector<1x16xf32>,
      %swap3A_890 = vector.shape_cast %swap3A_889 : vector<1x16xf32> to vector<16xf32>
      %swap3A_891 = vector.shape_cast %scan3A_836#5 : vector<16xf32> to vector<1x16xf32>
      tpu.vector_store %arg6[%swap3A_887, %swap3A_888], %swap3A_891 {strides = array<i32>} : memref<128x128xf32, #tpu.memory_space<vmem>>, vector<1x16xf32>,
      %mul3A_892 = arith.constant 2 : i32
      %mul3A_893 = arith.muli %add3A_785, %mul3A_892 : i32
      %add3A_894 = arith.constant 0 : i32
      %add3A_895 = arith.addi %mul3A_893, %add3A_894 : i32
      %swap3A_896 = arith.index_cast %add3A_895 : i32 to index
      %swap3A_897 = arith.constant 96 : index
      %swap3A_898 = tpu.vector_load %arg6[%swap3A_896, %swap3A_897] {strides = array<i32>} : memref<128x128xf32, #tpu.memory_space<vmem>>, vector<1x16xf32>,
      %swap3A_899 = vector.shape_cast %swap3A_898 : vector<1x16xf32> to vector<16xf32>
      %swap3A_900 = vector.shape_cast %scan3A_836#6 : vector<16xf32> to vector<1x16xf32>
      tpu.vector_store %arg6[%swap3A_896, %swap3A_897], %swap3A_900 {strides = array<i32>} : memref<128x128xf32, #tpu.memory_space<vmem>>, vector<1x16xf32>,
      %mul3A_901 = arith.constant 2 : i32
      %mul3A_902 = arith.muli %add3A_785, %mul3A_901 : i32
      %add3A_903 = arith.constant 0 : i32
      %add3A_904 = arith.addi %mul3A_902, %add3A_903 : i32
      %swap3A_905 = arith.index_cast %add3A_904 : i32 to index
      %swap3A_906 = arith.constant 112 : index
      %swap3A_907 = tpu.vector_load %arg6[%swap3A_905, %swap3A_906] {strides = array<i32>} : memref<128x128xf32, #tpu.memory_space<vmem>>, vector<1x16xf32>,
      %swap3A_908 = vector.shape_cast %swap3A_907 : vector<1x16xf32> to vector<16xf32>
      %swap3A_909 = vector.shape_cast %scan3A_836#7 : vector<16xf32> to vector<1x16xf32>
      tpu.vector_store %arg6[%swap3A_905, %swap3A_906], %swap3A_909 {strides = array<i32>} : memref<128x128xf32, #tpu.memory_space<vmem>>, vector<1x16xf32>,
      %get3A_910 = arith.constant 50 : i32
      %get3A_911 = arith.index_cast %get3A_910 : i32 to index
      %get3A_912 = arith.constant 0 : index
      %get3A_913 = tpu.vector_load %arg10[%get3A_911, %get3A_912] {strides = array<i32>} : memref<100x128xf32, #tpu.memory_space<vmem>>, vector<1x16xf32>,
      %get3A_914 = vector.shape_cast %get3A_913 : vector<1x16xf32> to vector<16xf32>
      %get3A_915 = arith.constant 50 : i32
      %get3A_916 = arith.index_cast %get3A_915 : i32 to index
      %get3A_917 = arith.constant 16 : index
      %get3A_918 = tpu.vector_load %arg10[%get3A_916, %get3A_917] {strides = array<i32>} : memref<100x128xf32, #tpu.memory_space<vmem>>, vector<1x16xf32>,
      %get3A_919 = vector.shape_cast %get3A_918 : vector<1x16xf32> to vector<16xf32>
      %get3A_920 = arith.constant 50 : i32
      %get3A_921 = arith.index_cast %get3A_920 : i32 to index
      %get3A_922 = arith.constant 32 : index
      %get3A_923 = tpu.vector_load %arg10[%get3A_921, %get3A_922] {strides = array<i32>} : memref<100x128xf32, #tpu.memory_space<vmem>>, vector<1x16xf32>,
      %get3A_924 = vector.shape_cast %get3A_923 : vector<1x16xf32> to vector<16xf32>
      %get3A_925 = arith.constant 50 : i32
      %get3A_926 = arith.index_cast %get3A_925 : i32 to index
      %get3A_927 = arith.constant 48 : index
      %get3A_928 = tpu.vector_load %arg10[%get3A_926, %get3A_927] {strides = array<i32>} : memref<100x128xf32, #tpu.memory_space<vmem>>, vector<1x16xf32>,
      %get3A_929 = vector.shape_cast %get3A_928 : vector<1x16xf32> to vector<16xf32>
      %get3A_930 = arith.constant 50 : i32
      %get3A_931 = arith.index_cast %get3A_930 : i32 to index
      %get3A_932 = arith.constant 64 : index
      %get3A_933 = tpu.vector_load %arg10[%get3A_931, %get3A_932] {strides = array<i32>} : memref<100x128xf32, #tpu.memory_space<vmem>>, vector<1x16xf32>,
      %get3A_934 = vector.shape_cast %get3A_933 : vector<1x16xf32> to vector<16xf32>
      %get3A_935 = arith.constant 50 : i32
      %get3A_936 = arith.index_cast %get3A_935 : i32 to index
      %get3A_937 = arith.constant 80 : index
      %get3A_938 = tpu.vector_load %arg10[%get3A_936, %get3A_937] {strides = array<i32>} : memref<100x128xf32, #tpu.memory_space<vmem>>, vector<1x16xf32>,
      %get3A_939 = vector.shape_cast %get3A_938 : vector<1x16xf32> to vector<16xf32>
      %get3A_940 = arith.constant 50 : i32
      %get3A_941 = arith.index_cast %get3A_940 : i32 to index
      %get3A_942 = arith.constant 96 : index
      %get3A_943 = tpu.vector_load %arg10[%get3A_941, %get3A_942] {strides = array<i32>} : memref<100x128xf32, #tpu.memory_space<vmem>>, vector<1x16xf32>,
      %get3A_944 = vector.shape_cast %get3A_943 : vector<1x16xf32> to vector<16xf32>
      %get3A_945 = arith.constant 50 : i32
      %get3A_946 = arith.index_cast %get3A_945 : i32 to index
      %get3A_947 = arith.constant 112 : index
      %get3A_948 = tpu.vector_load %arg10[%get3A_946, %get3A_947] {strides = array<i32>} : memref<100x128xf32, #tpu.memory_space<vmem>>, vector<1x16xf32>,
      %get3A_949 = vector.shape_cast %get3A_948 : vector<1x16xf32> to vector<16xf32>
      %scan3A_950 = arith.constant 1 : i32
      %scan3A_951 = arith.constant 49 : i32
      %scan3A_952 = arith.addi %scan3A_950, %scan3A_951 : i32
      %scan3A_953 = arith.constant 1 : i32
      %scan3A_954:8 = scf.for %scan3A_1035 = %scan3A_950 to %scan3A_952 step %scan3A_953 iter_args(%scan3A_1036 = %get3A_914, %scan3A_1037 = %get3A_919, %scan3A_1038 = %get3A_924, %scan3A_1039 = %get3A_929, %scan3A_1040 = %get3A_934, %scan3A_1041 = %get3A_939, %scan3A_1042 = %get3A_944, %scan3A_1043 = %get3A_949) -> (vector<16xf32>, vector<16xf32>, vector<16xf32>, vector<16xf32>, vector<16xf32>, vector<16xf32>, vector<16xf32>, vector<16xf32>)  : i32 {
        %add3A_1044 = arith.constant 50 : i32
        %add3A_1045 = arith.addi %add3A_1044, %scan3A_1035 : i32
        %get3A_1046 = arith.index_cast %add3A_1045 : i32 to index
        %get3A_1047 = arith.constant 0 : index
        %get3A_1048 = tpu.vector_load %arg10[%get3A_1046, %get3A_1047] {strides = array<i32>} : memref<100x128xf32, #tpu.memory_space<vmem>>, vector<1x16xf32>,
        %get3A_1049 = vector.shape_cast %get3A_1048 : vector<1x16xf32> to vector<16xf32>
        %add3A_1050 = arith.addf %scan3A_1036, %get3A_1049 : vector<16xf32>
        %add3A_1051 = arith.constant 50 : i32
        %add3A_1052 = arith.addi %add3A_1051, %scan3A_1035 : i32
        %get3A_1053 = arith.index_cast %add3A_1052 : i32 to index
        %get3A_1054 = arith.constant 16 : index
        %get3A_1055 = tpu.vector_load %arg10[%get3A_1053, %get3A_1054] {strides = array<i32>} : memref<100x128xf32, #tpu.memory_space<vmem>>, vector<1x16xf32>,
        %get3A_1056 = vector.shape_cast %get3A_1055 : vector<1x16xf32> to vector<16xf32>
        %add3A_1057 = arith.addf %scan3A_1037, %get3A_1056 : vector<16xf32>
        %add3A_1058 = arith.constant 50 : i32
        %add3A_1059 = arith.addi %add3A_1058, %scan3A_1035 : i32
        %get3A_1060 = arith.index_cast %add3A_1059 : i32 to index
        %get3A_1061 = arith.constant 32 : index
        %get3A_1062 = tpu.vector_load %arg10[%get3A_1060, %get3A_1061] {strides = array<i32>} : memref<100x128xf32, #tpu.memory_space<vmem>>, vector<1x16xf32>,
        %get3A_1063 = vector.shape_cast %get3A_1062 : vector<1x16xf32> to vector<16xf32>
        %add3A_1064 = arith.addf %scan3A_1038, %get3A_1063 : vector<16xf32>
        %add3A_1065 = arith.constant 50 : i32
        %add3A_1066 = arith.addi %add3A_1065, %scan3A_1035 : i32
        %get3A_1067 = arith.index_cast %add3A_1066 : i32 to index
        %get3A_1068 = arith.constant 48 : index
        %get3A_1069 = tpu.vector_load %arg10[%get3A_1067, %get3A_1068] {strides = array<i32>} : memref<100x128xf32, #tpu.memory_space<vmem>>, vector<1x16xf32>,
        %get3A_1070 = vector.shape_cast %get3A_1069 : vector<1x16xf32> to vector<16xf32>
        %add3A_1071 = arith.addf %scan3A_1039, %get3A_1070 : vector<16xf32>
        %add3A_1072 = arith.constant 50 : i32
        %add3A_1073 = arith.addi %add3A_1072, %scan3A_1035 : i32
        %get3A_1074 = arith.index_cast %add3A_1073 : i32 to index
        %get3A_1075 = arith.constant 64 : index
        %get3A_1076 = tpu.vector_load %arg10[%get3A_1074, %get3A_1075] {strides = array<i32>} : memref<100x128xf32, #tpu.memory_space<vmem>>, vector<1x16xf32>,
        %get3A_1077 = vector.shape_cast %get3A_1076 : vector<1x16xf32> to vector<16xf32>
        %add3A_1078 = arith.addf %scan3A_1040, %get3A_1077 : vector<16xf32>
        %add3A_1079 = arith.constant 50 : i32
        %add3A_1080 = arith.addi %add3A_1079, %scan3A_1035 : i32
        %get3A_1081 = arith.index_cast %add3A_1080 : i32 to index
        %get3A_1082 = arith.constant 80 : index
        %get3A_1083 = tpu.vector_load %arg10[%get3A_1081, %get3A_1082] {strides = array<i32>} : memref<100x128xf32, #tpu.memory_space<vmem>>, vector<1x16xf32>,
        %get3A_1084 = vector.shape_cast %get3A_1083 : vector<1x16xf32> to vector<16xf32>
        %add3A_1085 = arith.addf %scan3A_1041, %get3A_1084 : vector<16xf32>
        %add3A_1086 = arith.constant 50 : i32
        %add3A_1087 = arith.addi %add3A_1086, %scan3A_1035 : i32
        %get3A_1088 = arith.index_cast %add3A_1087 : i32 to index
        %get3A_1089 = arith.constant 96 : index
        %get3A_1090 = tpu.vector_load %arg10[%get3A_1088, %get3A_1089] {strides = array<i32>} : memref<100x128xf32, #tpu.memory_space<vmem>>, vector<1x16xf32>,
        %get3A_1091 = vector.shape_cast %get3A_1090 : vector<1x16xf32> to vector<16xf32>
        %add3A_1092 = arith.addf %scan3A_1042, %get3A_1091 : vector<16xf32>
        %add3A_1093 = arith.constant 50 : i32
        %add3A_1094 = arith.addi %add3A_1093, %scan3A_1035 : i32
        %get3A_1095 = arith.index_cast %add3A_1094 : i32 to index
        %get3A_1096 = arith.constant 112 : index
        %get3A_1097 = tpu.vector_load %arg10[%get3A_1095, %get3A_1096] {strides = array<i32>} : memref<100x128xf32, #tpu.memory_space<vmem>>, vector<1x16xf32>,
        %get3A_1098 = vector.shape_cast %get3A_1097 : vector<1x16xf32> to vector<16xf32>
        %add3A_1099 = arith.addf %scan3A_1043, %get3A_1098 : vector<16xf32>
        scf.yield %add3A_1050, %add3A_1057, %add3A_1064, %add3A_1071, %add3A_1078, %add3A_1085, %add3A_1092, %add3A_1099 : vector<16xf32>, vector<16xf32>, vector<16xf32>, vector<16xf32>, vector<16xf32>, vector<16xf32>, vector<16xf32>, vector<16xf32>
      }
      %scan3A_955 = arith.constant 49 : i32
      %mul3A_956 = arith.constant 2 : i32
      %mul3A_957 = arith.muli %add3A_785, %mul3A_956 : i32
      %add3A_958 = arith.constant 1 : i32
      %add3A_959 = arith.addi %mul3A_957, %add3A_958 : i32
      %swap3A_960 = arith.index_cast %add3A_959 : i32 to index
      %swap3A_961 = arith.constant 0 : index
      %swap3A_962 = tpu.vector_load %arg6[%swap3A_960, %swap3A_961] {strides = array<i32>} : memref<128x128xf32, #tpu.memory_space<vmem>>, vector<1x16xf32>,
      %swap3A_963 = vector.shape_cast %swap3A_962 : vector<1x16xf32> to vector<16xf32>
      %swap3A_964 = vector.shape_cast %scan3A_954#0 : vector<16xf32> to vector<1x16xf32>
      tpu.vector_store %arg6[%swap3A_960, %swap3A_961], %swap3A_964 {strides = array<i32>} : memref<128x128xf32, #tpu.memory_space<vmem>>, vector<1x16xf32>,
      %mul3A_965 = arith.constant 2 : i32
      %mul3A_966 = arith.muli %add3A_785, %mul3A_965 : i32
      %add3A_967 = arith.constant 1 : i32
      %add3A_968 = arith.addi %mul3A_966, %add3A_967 : i32
      %swap3A_969 = arith.index_cast %add3A_968 : i32 to index
      %swap3A_970 = arith.constant 16 : index
      %swap3A_971 = tpu.vector_load %arg6[%swap3A_969, %swap3A_970] {strides = array<i32>} : memref<128x128xf32, #tpu.memory_space<vmem>>, vector<1x16xf32>,
      %swap3A_972 = vector.shape_cast %swap3A_971 : vector<1x16xf32> to vector<16xf32>
      %swap3A_973 = vector.shape_cast %scan3A_954#1 : vector<16xf32> to vector<1x16xf32>
      tpu.vector_store %arg6[%swap3A_969, %swap3A_970], %swap3A_973 {strides = array<i32>} : memref<128x128xf32, #tpu.memory_space<vmem>>, vector<1x16xf32>,
      %mul3A_974 = arith.constant 2 : i32
      %mul3A_975 = arith.muli %add3A_785, %mul3A_974 : i32
      %add3A_976 = arith.constant 1 : i32
      %add3A_977 = arith.addi %mul3A_975, %add3A_976 : i32
      %swap3A_978 = arith.index_cast %add3A_977 : i32 to index
      %swap3A_979 = arith.constant 32 : index
      %swap3A_980 = tpu.vector_load %arg6[%swap3A_978, %swap3A_979] {strides = array<i32>} : memref<128x128xf32, #tpu.memory_space<vmem>>, vector<1x16xf32>,
      %swap3A_981 = vector.shape_cast %swap3A_980 : vector<1x16xf32> to vector<16xf32>
      %swap3A_982 = vector.shape_cast %scan3A_954#2 : vector<16xf32> to vector<1x16xf32>
      tpu.vector_store %arg6[%swap3A_978, %swap3A_979], %swap3A_982 {strides = array<i32>} : memref<128x128xf32, #tpu.memory_space<vmem>>, vector<1x16xf32>,
      %mul3A_983 = arith.constant 2 : i32
      %mul3A_984 = arith.muli %add3A_785, %mul3A_983 : i32
      %add3A_985 = arith.constant 1 : i32
      %add3A_986 = arith.addi %mul3A_984, %add3A_985 : i32
      %swap3A_987 = arith.index_cast %add3A_986 : i32 to index
      %swap3A_988 = arith.constant 48 : index
      %swap3A_989 = tpu.vector_load %arg6[%swap3A_987, %swap3A_988] {strides = array<i32>} : memref<128x128xf32, #tpu.memory_space<vmem>>, vector<1x16xf32>,
      %swap3A_990 = vector.shape_cast %swap3A_989 : vector<1x16xf32> to vector<16xf32>
      %swap3A_991 = vector.shape_cast %scan3A_954#3 : vector<16xf32> to vector<1x16xf32>
      tpu.vector_store %arg6[%swap3A_987, %swap3A_988], %swap3A_991 {strides = array<i32>} : memref<128x128xf32, #tpu.memory_space<vmem>>, vector<1x16xf32>,
      %mul3A_992 = arith.constant 2 : i32
      %mul3A_993 = arith.muli %add3A_785, %mul3A_992 : i32
      %add3A_994 = arith.constant 1 : i32
      %add3A_995 = arith.addi %mul3A_993, %add3A_994 : i32
      %swap3A_996 = arith.index_cast %add3A_995 : i32 to index
      %swap3A_997 = arith.constant 64 : index
      %swap3A_998 = tpu.vector_load %arg6[%swap3A_996, %swap3A_997] {strides = array<i32>} : memref<128x128xf32, #tpu.memory_space<vmem>>, vector<1x16xf32>,
      %swap3A_999 = vector.shape_cast %swap3A_998 : vector<1x16xf32> to vector<16xf32>
      %swap3A_1000 = vector.shape_cast %scan3A_954#4 : vector<16xf32> to vector<1x16xf32>
      tpu.vector_store %arg6[%swap3A_996, %swap3A_997], %swap3A_1000 {strides = array<i32>} : memref<128x128xf32, #tpu.memory_space<vmem>>, vector<1x16xf32>,
      %mul3A_1001 = arith.constant 2 : i32
      %mul3A_1002 = arith.muli %add3A_785, %mul3A_1001 : i32
      %add3A_1003 = arith.constant 1 : i32
      %add3A_1004 = arith.addi %mul3A_1002, %add3A_1003 : i32
      %swap3A_1005 = arith.index_cast %add3A_1004 : i32 to index
      %swap3A_1006 = arith.constant 80 : index
      %swap3A_1007 = tpu.vector_load %arg6[%swap3A_1005, %swap3A_1006] {strides = array<i32>} : memref<128x128xf32, #tpu.memory_space<vmem>>, vector<1x16xf32>,
      %swap3A_1008 = vector.shape_cast %swap3A_1007 : vector<1x16xf32> to vector<16xf32>
      %swap3A_1009 = vector.shape_cast %scan3A_954#5 : vector<16xf32> to vector<1x16xf32>
      tpu.vector_store %arg6[%swap3A_1005, %swap3A_1006], %swap3A_1009 {strides = array<i32>} : memref<128x128xf32, #tpu.memory_space<vmem>>, vector<1x16xf32>,
      %mul3A_1010 = arith.constant 2 : i32
      %mul3A_1011 = arith.muli %add3A_785, %mul3A_1010 : i32
      %add3A_1012 = arith.constant 1 : i32
      %add3A_1013 = arith.addi %mul3A_1011, %add3A_1012 : i32
      %swap3A_1014 = arith.index_cast %add3A_1013 : i32 to index
      %swap3A_1015 = arith.constant 96 : index
      %swap3A_1016 = tpu.vector_load %arg6[%swap3A_1014, %swap3A_1015] {strides = array<i32>} : memref<128x128xf32, #tpu.memory_space<vmem>>, vector<1x16xf32>,
      %swap3A_1017 = vector.shape_cast %swap3A_1016 : vector<1x16xf32> to vector<16xf32>
      %swap3A_1018 = vector.shape_cast %scan3A_954#6 : vector<16xf32> to vector<1x16xf32>
      tpu.vector_store %arg6[%swap3A_1014, %swap3A_1015], %swap3A_1018 {strides = array<i32>} : memref<128x128xf32, #tpu.memory_space<vmem>>, vector<1x16xf32>,
      %mul3A_1019 = arith.constant 2 : i32
      %mul3A_1020 = arith.muli %add3A_785, %mul3A_1019 : i32
      %add3A_1021 = arith.constant 1 : i32
      %add3A_1022 = arith.addi %mul3A_1020, %add3A_1021 : i32
      %swap3A_1023 = arith.index_cast %add3A_1022 : i32 to index
      %swap3A_1024 = arith.constant 112 : index
      %swap3A_1025 = tpu.vector_load %arg6[%swap3A_1023, %swap3A_1024] {strides = array<i32>} : memref<128x128xf32, #tpu.memory_space<vmem>>, vector<1x16xf32>,
      %swap3A_1026 = vector.shape_cast %swap3A_1025 : vector<1x16xf32> to vector<16xf32>
      %swap3A_1027 = vector.shape_cast %scan3A_954#7 : vector<16xf32> to vector<1x16xf32>
      tpu.vector_store %arg6[%swap3A_1023, %swap3A_1024], %swap3A_1027 {strides = array<i32>} : memref<128x128xf32, #tpu.memory_space<vmem>>, vector<1x16xf32>,
      %add3A_1028 = arith.constant 4 : i32
      %add3A_1029 = arith.addi %add3A_785, %add3A_1028 : i32
      %lt3A_1030 = arith.constant 64 : i32
      %lt3A_1031 = arith.cmpi slt, %add3A_1029, %lt3A_1030 : i32
      %convert_element_type3A_1032 = arith.extui %lt3A_1031 : i1 to i32
      %cond3A_1033 = arith.constant 0 : i32
      %cond3A_1034 = arith.cmpi ne, %convert_element_type3A_1032, %cond3A_1033 : i32
      scf.if %cond3A_1034 {
        %dma_start3A_1035 = arith.constant 0 : i32
        %dma_start3A_1036 = tpu.memref_slice %arg5[%add3A_1029, %dma_start3A_1035] : memref<64x100xi32, #tpu.memory_space<vmem>> -> memref<1x100xi32, #tpu.memory_space<vmem>>
        %dma_start3A_1037 = tpu.memref_squeeze %dma_start3A_1036 : memref<1x100xi32, #tpu.memory_space<vmem>> -> memref<100xi32, #tpu.memory_space<vmem>>
        %dma_start3A_1038 = arith.constant 0 : i32
        %dma_start3A_1039 = arith.constant 0 : i32
        %dma_start3A_1040 = tpu.memref_slice %arg3[%dma_start3A_1038, %dma_start3A_1039] : memref<100000x128xf32, #tpu.memory_space<hbm>> -> memref<100000x128xf32, #tpu.memory_space<hbm>>
        tpu.enqueue_indirect_dma source(%dma_start3A_1040 : memref<100000x128xf32, #tpu.memory_space<hbm>>) target(%arg10 : memref<100x128xf32, #tpu.memory_space<vmem>>) offsets(%dma_start3A_1037 : memref<100xi32, #tpu.memory_space<vmem>>) semaphore(%arg14 : memref<!tpu.dma_semaphore, #tpu.memory_space<semaphore_mem>>)
      } else {
      }
    }
    %scan3A_31 = arith.constant 16 : i32
    %mul3A_32 = arith.constant 128 : i32
    %mul3A_33 = arith.muli %add3A, %mul3A_32 : i32
    "tpu.region"() ({
      %run_scoped3A = tpu.sem_alloc : memref<!tpu.dma_semaphore, #tpu.memory_space<semaphore_mem>>
      %dma_start3A_34 = arith.constant 0 : i32
      %dma_start3A_35 = tpu.memref_slice %arg4[%mul3A_33, %dma_start3A_34] : memref<4096x128xf32, #tpu.memory_space<hbm>> -> memref<128x128xf32, #tpu.memory_space<hbm>>
      %dma_start3A_36 = arith.constant 0 : i32
      %dma_start3A_37 = tpu.memref_slice %arg4[%mul3A_33, %dma_start3A_36] : memref<4096x128xf32, #tpu.memory_space<hbm>> -> memref<128x128xf32, #tpu.memory_space<hbm>>
      tpu.enqueue_dma source(%arg6 : memref<128x128xf32, #tpu.memory_space<vmem>>) target(%dma_start3A_37 : memref<128x128xf32, #tpu.memory_space<hbm>>) target_semaphore(%run_scoped3A : memref<!tpu.dma_semaphore, #tpu.memory_space<semaphore_mem>>)
      %dma_wait3A = arith.constant 0 : i32
      %dma_wait3A_38 = tpu.memref_slice %arg4[%mul3A_33, %dma_wait3A] : memref<4096x128xf32, #tpu.memory_space<hbm>> -> memref<128x128xf32, #tpu.memory_space<hbm>>
      %dma_wait3A_39 = arith.constant 0 : i32
      %dma_wait3A_40 = tpu.memref_slice %arg4[%mul3A_33, %dma_wait3A_39] : memref<4096x128xf32, #tpu.memory_space<hbm>> -> memref<128x128xf32, #tpu.memory_space<hbm>>
      tpu.wait_dma2 semaphore(%run_scoped3A : memref<!tpu.dma_semaphore, #tpu.memory_space<semaphore_mem>>) src(%arg6 : memref<128x128xf32, #tpu.memory_space<vmem>>) dst(%dma_wait3A_40 : memref<128x128xf32, #tpu.memory_space<hbm>>)
      tpu.yield
    }) : () -> ()
    return
  }
}

module attributes {stable_mosaic.version = 14 : i64} {
  func.func @body(%arg0: i32, %arg1: memref<2048x128xf32, #tpu.memory_space<vmem>>, %arg2: memref<256x128xf32, #tpu.memory_space<vmem>>, %arg3: memref<1x256xf32, #tpu.memory_space<vmem>>, %arg4: memref<64x256xf32, #tpu.memory_space<vmem>>, %arg5: memref<1x64xf32, #tpu.memory_space<vmem>>, %arg6: memref<2048x64xf32, #tpu.memory_space<vmem>>) attributes {dimension_semantics = [#tpu.dimension_semantics<arbitrary>], iteration_bounds = array<i64: 2>, scalar_prefetch = 0 : i64, scratch_operands = 0 : i64, tpu.core_type = #tpu.core_type<tc>, window_params = [{transform_indices = @transform_0, window_bounds = array<i64: 2048, 128>}, {pipeline_mode = #tpu.pipeline_mode<synchronous>, transform_indices = @transform_1, window_bounds = array<i64: 256, 128>}, {pipeline_mode = #tpu.pipeline_mode<synchronous>, transform_indices = @transform_2, window_bounds = array<i64: 1, 256>}, {pipeline_mode = #tpu.pipeline_mode<synchronous>, transform_indices = @transform_3, window_bounds = array<i64: 64, 256>}, {pipeline_mode = #tpu.pipeline_mode<synchronous>, transform_indices = @transform_4, window_bounds = array<i64: 1, 64>}, {transform_indices = @transform_5, window_bounds = array<i64: 2048, 64>}]} {
    %get3A = arith.constant 0 : index
    %get3A_0 = arith.constant 0 : index
    %get3A_1 = vector.load %arg1[%get3A, %get3A_0] : memref<2048x128xf32, #tpu.memory_space<vmem>>, vector<2048x128xf32>
    %mul3A = arith.constant 2.000000e-02 : f32
    %mul3A_2 = vector.broadcast %mul3A : f32 to vector<2048x128xf32>
    %mul3A_3 = arith.mulf %get3A_1, %mul3A_2 : vector<2048x128xf32>
    %get3A_4 = arith.constant 0 : index
    %get3A_5 = arith.constant 0 : index
    %get3A_6 = vector.load %arg2[%get3A_4, %get3A_5] : memref<256x128xf32, #tpu.memory_space<vmem>>, vector<256x128xf32>
    %dot_general3A = arith.constant dense<0.000000e+00> : vector<2048x256xf32>
    %dot_general3A_7 = tpu.matmul %mul3A_3, %get3A_6, %dot_general3A {dimension_numbers = #tpu.dot_dimension_numbers<[1], [1], [0], [0], [0, 0, 1, 0], [], []>, transpose_lhs_hint = false} : vector<2048x128xf32>, vector<256x128xf32>, vector<2048x256xf32> -> vector<2048x256xf32>
    %get3A_8 = arith.constant 0 : index
    %get3A_9 = arith.constant 0 : index
    %get3A_10 = vector.load %arg3[%get3A_8, %get3A_9] : memref<1x256xf32, #tpu.memory_space<vmem>>, vector<1x256xf32>
    %add3A = vector.broadcast %get3A_10 : vector<1x256xf32> to vector<2048x256xf32>
    %add3A_11 = arith.addf %dot_general3A_7, %add3A : vector<2048x256xf32>
    %get3A_12 = arith.constant 0 : index
    %get3A_13 = arith.constant 0 : index
    %get3A_14 = vector.load %arg4[%get3A_12, %get3A_13] : memref<64x256xf32, #tpu.memory_space<vmem>>, vector<64x256xf32>
    %dot_general3A_15 = arith.constant dense<0.000000e+00> : vector<2048x64xf32>
    %dot_general3A_16 = tpu.matmul %add3A_11, %get3A_14, %dot_general3A_15 {dimension_numbers = #tpu.dot_dimension_numbers<[1], [1], [0], [0], [0, 0, 1, 0], [], []>, transpose_lhs_hint = false} : vector<2048x256xf32>, vector<64x256xf32>, vector<2048x64xf32> -> vector<2048x64xf32>
    %get3A_17 = arith.constant 0 : index
    %get3A_18 = arith.constant 0 : index
    %get3A_19 = vector.load %arg5[%get3A_17, %get3A_18] : memref<1x64xf32, #tpu.memory_space<vmem>>, vector<1x64xf32>
    %add3A_20 = vector.broadcast %get3A_19 : vector<1x64xf32> to vector<2048x64xf32>
    %add3A_21 = arith.addf %dot_general3A_16, %add3A_20 : vector<2048x64xf32>
    %reduce_max3A = arith.constant dense<0xFF800000> : vector<2048xf32>
    %reduce_max3A_22 = vector.multi_reduction <maximumf>, %add3A_21, %reduce_max3A [1] : vector<2048x64xf32> to vector<2048xf32>
    %broadcast_in_dim3A = vector.shape_cast %reduce_max3A_22 : vector<2048xf32> to vector<2048x1xf32>
    %sub3A = vector.broadcast %broadcast_in_dim3A : vector<2048x1xf32> to vector<2048x64xf32>
    %sub3A_23 = arith.subf %add3A_21, %sub3A : vector<2048x64xf32>
    %exp3A = math.exp %sub3A_23 : vector<2048x64xf32>
    %reduce_sum3A = arith.constant dense<0.000000e+00> : vector<2048xf32>
    %reduce_sum3A_24 = vector.multi_reduction <add>, %exp3A, %reduce_sum3A [1] : vector<2048x64xf32> to vector<2048xf32>
    %broadcast_in_dim3A_25 = vector.shape_cast %reduce_sum3A_24 : vector<2048xf32> to vector<2048x1xf32>
    %div3A = vector.broadcast %broadcast_in_dim3A_25 : vector<2048x1xf32> to vector<2048x64xf32>
    %div3A_26 = arith.divf %exp3A, %div3A : vector<2048x64xf32>
    %swap3A = arith.constant 0 : index
    %swap3A_27 = arith.constant 0 : index
    %swap3A_28 = vector.load %arg6[%swap3A, %swap3A_27] : memref<2048x64xf32, #tpu.memory_space<vmem>>, vector<2048x64xf32>
    tpu.vector_store %arg6[%swap3A, %swap3A_27], %div3A_26 {strides = array<i32>} : memref<2048x64xf32, #tpu.memory_space<vmem>>, vector<2048x64xf32>,
    return
  }
  func.func @transform_0(%arg0: i32) -> (i32, i32) {
    %c0_i32 = arith.constant 0 : i32
    %c0_i32_0 = arith.constant 0 : i32
    return %arg0, %c0_i32 : i32, i32
  }
  func.func @transform_1(%arg0: i32) -> (i32, i32) {
    %c0_i32 = arith.constant 0 : i32
    %c0_i32_0 = arith.constant 0 : i32
    %c0_i32_1 = arith.constant 0 : i32
    return %c0_i32, %c0_i32_0 : i32, i32
  }
  func.func @transform_2(%arg0: i32) -> (i32, i32) {
    %c0_i32 = arith.constant 0 : i32
    %c0_i32_0 = arith.constant 0 : i32
    %c0_i32_1 = arith.constant 0 : i32
    return %c0_i32, %c0_i32_0 : i32, i32
  }
  func.func @transform_3(%arg0: i32) -> (i32, i32) {
    %c0_i32 = arith.constant 0 : i32
    %c0_i32_0 = arith.constant 0 : i32
    %c0_i32_1 = arith.constant 0 : i32
    return %c0_i32, %c0_i32_0 : i32, i32
  }
  func.func @transform_4(%arg0: i32) -> (i32, i32) {
    %c0_i32 = arith.constant 0 : i32
    %c0_i32_0 = arith.constant 0 : i32
    %c0_i32_1 = arith.constant 0 : i32
    return %c0_i32, %c0_i32_0 : i32, i32
  }
  func.func @transform_5(%arg0: i32) -> (i32, i32) {
    %c0_i32 = arith.constant 0 : i32
    %c0_i32_0 = arith.constant 0 : i32
    return %arg0, %c0_i32 : i32, i32
  }
}

</mosaic_0001>

<sc_bundles>
// kernel: kernel.4.cloned.1.call-start
scs
__scs_entry_jumppad:
0x0: {  	(pc) =	sbr.rel $0x88, $3  }
0x1: {  	(tag) =	ssettag $0x0;
	lr =	simm.s32 $0x1  }
0x2: {  	[smem:$0x3F9B] =	sst lr;
	_ =	strace $0xD0000000  }
0x3: {  	_ = 	snop  }
0x4: {  	_ = 	snop  }
0x5: {  	_ = 	snop  }
0x6: {  	_ = 	snop  }
0x7: {  	_ = 	snop  }
__scs_overlays_trampoline_lowered:
0x8: {  	[smem:$0x3FAA] =	sst s0  }
0x9: {  	[smem:$0x3FAB] =	sst s1  }
0xa: {  	[smem:$0x3FAC] =	sst s2  }
0xb: {  	[smem:$0x3FAD] =	sst s3  }
0xc: {  	[smem:$0x3FAE] =	sst s4  }
0xd: {  	[smem:$0x3FAF] =	sst s5  }
0xe: {  	[smem:$0x3FB0] =	sst s6  }
0xf: {  	[smem:$0x3FB1] =	sst s7  }
0x10: {  	[smem:$0x3FB2] =	sst s8  }
0x11: {  	[smem:$0x3FB3] =	sst s9;
	s0 =	simm.s32 @!p0 $0x0  }
0x12: {  	s1 =	sld [smem:$0x3F99];
	s0 =	simm.s32 @p0 $0x1  }
0x13: {  	[smem:$0x3FB4] =	sst s0;
	s0 =	simm.s32 @!p1 $0x0  }
0x14: {  	s2 =	sld [smem:$0x3F98];
	s0 =	simm.s32 @p1 $0x1  }
0x15: {  	[smem:$0x3FB5] =	sst s0;
	s0 =	simm.s32 @!p2 $0x0  }
0x16: {  	s3 =	sld [smem:$0x3FDB];
	s0 =	simm.s32 @p2 $0x1  }
0x17: {  	s4 =	simm.s32 $0x1BF5;
	[smem:$0x3FB7] =	sst s0  }
0x18: {  	s0 =	sld [smem:$0x3F9A];
	_ =	swait.ge [sflag:s4], $0x0  }
0x19: {  	s7 =	sld [smem:$0x3F9B]  }
0x1a: {  	s8 =	sadd.s32 $0xFFFFE003, lr  }
0x1b: {  	s9 =	sadd.s32 $0xFFFFFEF7, lr;
	s5 =	simm.s32 $0xFFFFFFFF;
	p2 =	slt.u32 s8, $0xFFFFF086  }
0x1c: {  	p1 =	slt.u32 s9, $0xF7A;
	s5 =	simm.s32 @!p2 $0x0  }
0x1d: {  	s5 =	simm.s32 @p1 $0x1;
	p0 =	seq.s32 s7, s2  }
0x1e: {  	s7 =	smul.u32 @!p0 $0xF7A, s2;
	p2 =	seq.s32 @!p0 s5, $0x0  }
0x1f: {  	s9 =	smul.u32 $0xF7A, s1;
	s8 =	simm.s32 @!p0 $0x1BF5;
	p2 =	por !p2, p0  }
0x20: {  	[sflag:s8] =	ssyncset.s32 @!p0 $0xFFFFF086;
	s6 =	sadd.s32 @!p0 s3, s7;
	s7 =	simm.s32 @!p0 $0x108  }
0x21: {  	s3 =	sadd.s32 s3, s9;
	s6 =	sadd.s32 @!p0 $0x88, s6;
	s7 =	simm.s32 @p2 $0x1082  }
0x22: {  	[simem:s7], [sflag:s8] =	dma.local @!p0 [hbm:s6], $0xF7A  }
0x23: {  	s9 =	sor.u32 $0xD0000000, s2;
	s6 =	simm.s32 $0x108;
	_ =	swait.ge @!p0 [sflag:s8], $0x0  }
0x24: {  	s3 =	sadd.s32 $0x88, s3;
	s6 =	simm.s32 @!p1 $0x1082;
	[sflag:s4] =	ssyncset.s32 $0xFFFFF086  }
0x25: {  	[simem:s6], [sflag:s4] =	dma.local [hbm:s3], $0xF7A  }
0x26: {  	[smem:$0x3F9B] =	sst s1;
	(tag) =	ssettag s2;
	_ =	strace s9  }
0x27: {  	s1 =	sld [smem:$0x3FAB]  }
0x28: {  	s2 =	sld [smem:$0x3FAC]  }
0x29: {  	s4 =	sld [smem:$0x3FAE]  }
0x2a: {  	p0 =	seq.s32 s5, $0x0;
	s5 =	sld [smem:$0x3FAF]  }
0x2b: {  	s6 =	sld [smem:$0x3FB0]  }
0x2c: {  	s7 =	sld [smem:$0x3FB1]  }
0x2d: {  	s3 =	simm.s32 $0x108;
	s8 =	sld [smem:$0x3FB2]  }
0x2e: {  	s3 =	simm.s32 @!p0 $0x1082;
	s9 =	sld [smem:$0x3FB3]  }
0x2f: {  	lr =	sadd.s32 s0, s3;
	s0 =	sld [smem:$0x3FAA]  }
0x30: {  	s3 =	sld [smem:$0x3FAD]  }
0x31: {  	[smem:$0x3FB6] =	sst s10  }
0x32: {  	s10 =	sld [smem:$0x3FB4];
	_ =	sdelay $0x3  }
0x33: {  	p0 =	seq.s32 s10, $0x1;
	s10 =	sld [smem:$0x3FB6];
	_ =	sdelay $0x3  }
0x34: {  	[smem:$0x3FB6] =	sst s10  }
0x35: {  	s10 =	sld [smem:$0x3FB5];
	_ =	sdelay $0x3  }
0x36: {  	p1 =	seq.s32 s10, $0x1;
	s10 =	sld [smem:$0x3FB6];
	_ =	sdelay $0x3  }
0x37: {  	[smem:$0x3FB6] =	sst s10  }
0x38: {  	s10 =	sld [smem:$0x3FB7]  }
0x39: {  	_ = 	snop;
	(pc) =	sbr.ind lr, $3  }
0x3a: {  	_ = 	snop  }
0x3b: {  	_ = 	snop  }
0x3c: {  	p2 =	seq.s32 s10, $0x1;
	s10 =	sld [smem:$0x3FB6]  }
0x3d: {  	_ =	shalt  }
0x3e: {  	_ =	shalt  }
0x3f: {  	_ =	shalt  }
0x40: {  	_ =	shalt  }
0x41: {  	_ =	shalt  }
0x42: {  	_ =	shalt  }
0x43: {  	_ =	shalt  }
0x44: {  	_ =	shalt  }
0x45: {  	_ =	shalt  }
0x46: {  	_ =	shalt  }
0x47: {  	_ =	shalt  }
0x48: {  	_ =	shalt  }
0x49: {  	_ =	shalt  }
0x4a: {  	_ =	shalt  }
0x4b: {  	_ =	shalt  }
0x4c: {  	_ =	shalt  }
0x4d: {  	_ =	shalt  }
0x4e: {  	_ =	shalt  }
0x4f: {  	_ =	shalt  }
0x50: {  	_ =	shalt  }
0x51: {  	_ =	shalt  }
0x52: {  	_ =	shalt  }
0x53: {  	_ =	shalt  }
0x54: {  	_ =	shalt  }
0x55: {  	_ =	shalt  }
0x56: {  	_ =	shalt  }
0x57: {  	_ =	shalt  }
0x58: {  	_ =	shalt  }
0x59: {  	_ =	shalt  }
0x5a: {  	_ =	shalt  }
0x5b: {  	_ =	shalt  }
0x5c: {  	_ =	shalt  }
0x5d: {  	_ =	shalt  }
0x5e: {  	_ =	shalt  }
0x5f: {  	_ =	shalt  }
0x60: {  	_ =	shalt  }
0x61: {  	_ =	shalt  }
0x62: {  	_ =	shalt  }
0x63: {  	_ =	shalt  }
0x64: {  	_ =	shalt  }
0x65: {  	_ =	shalt  }
0x66: {  	_ =	shalt  }
0x67: {  	_ =	shalt  }
0x68: {  	_ =	shalt  }
0x69: {  	_ =	shalt  }
0x6a: {  	_ =	shalt  }
0x6b: {  	_ =	shalt  }
0x6c: {  	_ =	shalt  }
0x6d: {  	_ =	shalt  }
0x6e: {  	_ =	shalt  }
0x6f: {  	_ =	shalt  }
0x70: {  	_ =	shalt  }
0x71: {  	_ =	shalt  }
0x72: {  	_ =	shalt  }
0x73: {  	_ =	shalt  }
0x74: {  	_ =	shalt  }
0x75: {  	_ =	shalt  }
0x76: {  	_ =	shalt  }
0x77: {  	_ =	shalt  }
0x78: {  	_ =	shalt  }
0x79: {  	_ =	shalt  }
0x7a: {  	_ =	shalt  }
0x7b: {  	_ =	shalt  }
0x7c: {  	_ =	shalt  }
0x7d: {  	_ =	shalt  }
0x7e: {  	_ =	shalt  }
0x7f: {  	_ =	shalt  }
0x80: {  	_ =	shalt  }
0x81: {  	_ =	shalt  }
0x82: {  	_ =	shalt  }
0x83: {  	_ =	shalt  }
0x84: {  	_ =	shalt  }
0x85: {  	_ =	shalt  }
0x86: {  	_ =	shalt  }
0x87: {  	_ =	shalt  }
.Lfunc_end0:
.L_simem_size_0:
called_computation_lowered:
.L_overlay_start_0:
0x88: {  	s2 =	sld [smem:$0x3FD9]  }
0x89: {  	s3 =	sld [smem:$0x3FFE];
	_ =	sdelay $0x1  }
0x8a: {  	s1 =	srdreg.scid  }
0x8b: {  	s0 =	sand.u32 $0x1, s1  }
0x8c: {  	s17 =	sshll.u32 s0, $0xA;
	s2 =	sadd.s32 s3, s2  }
0x8d: {  	s2 =	sadd.s32 s2, s17  }
0x8e: {  	[smem:$0x3FC2] =	sst s2  }
0x8f: {  	_ = 	snop  }
0x90: {  	s2 =	sld [smem:$0x3FC8]  }
0x91: {  	s18 =	sld [smem:$0x3FD0];
	(tm) =	ssettm $0x1  }
0x92: {  	s4 =	sld [smem:$0x3FFB];
	_ =	sdelay $0x3  }
0x93: {  	_ =	strace s4  }
0x94: {  	s4 =	sld [smem:$0x3FFC];
	_ =	sdelay $0x3  }
0x95: {  	_ =	strace s4  }
0x96: {  	s4 =	sld [smem:$0x3FFD];
	_ =	sdelay $0x3  }
0x97: {  	_ =	strace s4  }
0x98: {  	_ =	strace $0x8FFFFFFF  }
0x99: {  	s19 =	sld [smem:$0x3FDB];
	_ =	sdelay $0x1  }
0x9a: {  	s5 =	simm.s32 $_scs_section_size  }
0x9b: {  	s6 =	simm.s32 $_size__tile_overlayer_lowered;
	s7 =	simm.s32 $_tile_overlayer_lowered  }
0x9c: {  	s22 =	simm.s32 $0x1BFF;
	s21 =	sshll.u32 s7, $0x1;
	s4 =	sadd.s32 s5, s19  }
0x9d: {  	s8 =	simm.s32 $0x0;
	s20 =	sshll.u32 s6, $0x1;
	s6 =	sadd.s32 s21, s4  }
0x9e: {  	[timem:s8], [sflag:s22] =	dma.local [hbm:s6], s20  }
0x9f: {  	_ =	swait.ge [sflag:s22], s20  }
0xa0: {  	s5 =	ssub.s32 $0x0, s20;
	[sflag:s22] =	ssyncset.done $0x0  }
0xa1: {  	[sflag:s22] =	ssyncadd.s32 s5;
	_ =	sdelay $0x1  }
0xa2: {  	s23 =	simm.s32 $0x1B8B  }
0xa3: {  	_ =	swait.ge [sflag:s23], $0x1  }
0xa4: {  	[sflag:s23] =	ssyncset.done $0x0  }
0xa5: {  	s25 =	simm.s32 $0x1B8E;
	s24 =	sld [smem:$0x3FFE];
	[sflag:s23] =	ssyncadd.s32 $0xFFFFFFFF  }
0xa6: {  	s26 =	simm.s32 $execute0_lowered;
	[smem:$0x3FD2] =	sst s25  }
0xa7: {  	s6 =	sshll.u32 s26, $0x1;
	_ =	strace $0x80000046;
	[dreg:$0x1] =	wrdreg $0xFFFFFFFF  }
0xa8: {  	s28 =	simm.s32 $_size_execute0_lowered;
	s4 =	sadd.s32 s4, s6;
	[dreg:$0x0] =	wrdreg $0x0  }
0xa9: {  	s6 =	sshll.u32 s28, $0x1;
	[dreg:$0x2] =	wrdreg s4  }
0xaa: {  	[dreg:$0x3] =	wrdreg s6  }
0xab: {  	[dreg:$0x4] =	wrdreg $0xC0  }
0xac: {  	_ =	task [dreg:s8], $0x5FFFF  }
0xad: {  	[dreg:$0x1] =	wrdreg $0xFFFFFFFF  }
0xae: {  	[dreg:$0x0] =	wrdreg $0x60  }
0xaf: {  	[dreg:$0x2] =	wrdreg s18  }
0xb0: {  	[dreg:$0x3] =	wrdreg s2  }
0xb1: {  	[dreg:$0x4] =	wrdreg s24  }
0xb2: {  	[dreg:$0x5] =	wrdreg $0x9  }
0xb3: {  	_ =	task.clear_ibuf [dreg:s8], $0x6FFFF;
	_ =	strace $0x90000046  }
0xb4: {  	s29 =	simm.s32 $0x9;
	_ =	strace $0x80000048  }
0xb5: {  	_ =	swait.ge [sflag:s29], $0x1  }
0xb6: {  	[sflag:s29] =	ssyncadd.s32 $0xFFFFFFFF  }
0xb7: {  	_ =	strace $0x90000048  }
0xb8: {  	_ =	sfence  }
0xb9: {  	s30 =	sld [smem:$0x0];
	_ =	sdelay $0x2  }
0xba: {  	s31 =	sshll.u32 s1, $0xD;
	s1 =	sshrl.u32 s1, $0x2  }
0xbb: {  	s3 =	sand.u32 $0x4000, s31;
	s1 =	sadd.s32 s1, s30  }
0xbc: {  	s0 =	sor.u32 s3, s0;
	s1 =	sshll.u32 s1, $0x11  }
0xbd: {  	s0 =	sor.u32 s1, s0  }
0xbe: {  	s0 =	sadd.s32 $0x8F2B, s0  }
0xbf: {  	[sflag:s0] =	ssyncadd.remote.s32 $0x1  }
0xc0: {  	_ =	sfence.sel $0xFFFF  }
0xc1: {  	[dreg:$0x0] =	wrdreg $0xFFFFFFFF;
	(pc) =	sbr.abs _section_cstart, $3  }
0xc2: {  	[dreg:$0x1] =	wrdreg $0xFFFFFFFF  }
0xc3: {  	_ =	task.clear_ibuf [dreg:s8], $0x2FFFF;
	_ =	strace $0x9FFFFFFF  }
0xc4: {  	(tm) =	ssettm $0x7FFFFFFF  }
0xc5: {  	_ =	shalt  }
tec
execute0_lowered:
.L_overlay_start_1:
0x0: {  	(tag) =	ssettag $0x1  }
0x1: {  	s4 =	rddreg [dreg:$0x0]  }
0x2: {  	s2 =	rddreg [dreg:$0x1]  }
0x3: {  	s5 =	rddreg [dreg:$0x2]  }
0x4: {  	s0 =	rddreg [dreg:$0x3]  }
0x5: {  	s6 =	srdreg.scid;
	s1 =	stileid.u32;
	s3 =	simm.s32 $0x0  }
0x6: {  	s10 =	simm.s32 $0x80;
	s11 =	simm.s32 $0x9400;
	s12 =	simm.s32 $0x100  }
0x7: {  	s13 =	simm.s32 $0xC800;
	s14 =	simm.s32 $0x180;
	s15 =	simm.s32 $0xFC00  }
0x8: {  	s16 =	simm.s32 $0x1;
	s17 =	simm.s32 $0x2;
	s18 =	simm.s32 $0x3  }
0x9: {  	s19 =	simm.s32 $0x4;
	s20 =	simm.s32 $0x2000;
	s21 =	simm.s32 $0x0  }
0xa: {  	s6 =	sand.u32 $0x1, s6;
	s7 =	sshll.u32 s1, $0x1;
	[smem:$0x7FF] =	sst s3  }
.Ltmp0:
0xb: {  	s7 =	sor.u32 s6, s7;
	s6 =	ssub.s32 $0x2, s6;
	(pc) =	sbr.rel .LBB2_1-.Ltmp0, $4  }
0xc: {  	_ =	strace $0x80000047;
	s8 =	sshll.u32 s7, $0xB;
	s9 =	sshrl.u32 s6, $0x1  }
0xd: {  	s7 =	sshll.u32 s7, $0xA;
	s5 =	sadd.s32 s8, s5;
	s6 =	ssub.s32 s6, s9  }
0xe: {  	s4 =	sadd.s32 s4, s7;
	s7 =	simm.s32 $0x5;
	s8 =	simm.s32 $0x64  }
0xf: {  	s9 =	simm.s32 $0x6000;
	s5 =	sadd.s32 $0xE00, s5;
	s6 =	smax.u32 s6, $0x1  }
.LBB2_20:
0x10: {  	s21 =	sadd.s32 $0x1, s21  }
0x11: {  	p0 =	sne.s32 s21, s6  }
.Ltmp1:
0x12: {  	_ = 	snop;
	(pc) =	sbr.rel @!p0 .LBB2_21-.Ltmp1, $4  }
0x13: {  	[hbm4b:s5+s3] =	stream.linear.scatter [tilespmem:s20], [sflag:$0x5], $0x4000, $0x38;
	[tilespmem:$0x13000] =	vst v63  }
0x14: {  	_ =	swait.ge [sflag:s7], $0x4000  }
0x15: {  	[sflag:s7] =	ssyncset.done $0x0  }
0x16: {  	[sflag:s7] =	ssyncadd.s32 $0xFFFFC000  }
.LBB2_1:
0x17: {  	[tilespmem:s3], [sflag:$0x5] =	stream.linear.gather [hbm4b:s4+s3], $0x2000, $0x38;
	[tilespmem:$0x13000] =	vst v63  }
0x18: {  	_ =	swait.ge [sflag:s7], $0x2000  }
0x19: {  	[sflag:s7] =	ssyncset.done $0x0  }
0x1a: {  	[sflag:s7] =	ssyncadd.s32 $0xFFFFE000  }
0x1b: {  	[tilespmem:s9], [sflag:$0x1] =	stream.indirect.gather [hbm4b:s2+s8], $0x80, s3, s8, $0xb8;
	[tilespmem:$0x13000] =	vst v63  }
0x1c: {  	_ = 	snop  }
0x1d: {  	[tilespmem:s11], [sflag:$0x2] =	stream.indirect.gather [hbm4b:s2+s8], $0x80, s10, s8, $0xb8;
	[tilespmem:$0x13000] =	vst v63  }
0x1e: {  	_ = 	snop  }
0x1f: {  	[tilespmem:s13], [sflag:$0x3] =	stream.indirect.gather [hbm4b:s2+s8], $0x80, s12, s8, $0xb8;
	[tilespmem:$0x13000] =	vst v63  }
0x20: {  	s22 =	simm.s32 $0x0  }
0x21: {  	[tilespmem:s15], [sflag:$0x4] =	stream.indirect.gather [hbm4b:s2+s8], $0x80, s14, s8, $0xb8;
	[tilespmem:$0x13000] =	vst v63  }
.LBB2_2:
0x22: {  	_ =	swait.ge [sflag:s16], $0x3200  }
0x23: {  	[sflag:s16] =	ssyncset.done $0x0  }
0x24: {  	[sflag:s16] =	ssyncadd.s32 $0xFFFFCE00  }
0x25: {  	v8 =	vld [tilespmem:$0x6000]  }
0x26: {  	v9 =	vld [tilespmem:$0x6010]  }
0x27: {  	v5 =	vld [tilespmem:$0x6020]  }
0x28: {  	v4 =	vld [tilespmem:$0x6030]  }
0x29: {  	v3 =	vld [tilespmem:$0x6040]  }
0x2a: {  	v1 =	vld [tilespmem:$0x6050]  }
0x2b: {  	v0 =	vld [tilespmem:$0x6060]  }
0x2c: {  	s25 =	simm.s32 $0xF0;
	v2 =	vld [tilespmem:$0x6070]  }
0x2d: {  	v7 =	vld [tilespmem:s25+$0x6000]  }
0x2e: {  	v10 =	vld [tilespmem:s25+$0x5F90]  }
0x2f: {  	v13 =	vld [tilespmem:s25+$0x5FA0]  }
0x30: {  	v12 =	vld [tilespmem:s25+$0x5FB0]  }
0x31: {  	v11 =	vld [tilespmem:s25+$0x5FC0]  }
0x32: {  	v6 =	vld [tilespmem:s25+$0x5FD0]  }
0x33: {  	v2 =	vadd.f32 v7, v2;
	v7 =	vld [tilespmem:s25+$0x5FE0]  }
0x34: {  	s23 =	simm.s32 $0x170;
	s24 =	simm.s32 $0x7C0;
	v10 =	vadd.f32 v10, v8;
	v8 =	vadd.f32 v13, v9;
	v9 =	vld [tilespmem:s25+$0x5FF0]  }
.LBB2_3:
0x35: {  	p0 =	sne.s32 s24, $0x63C0;
	v13 =	vld [tilespmem:s23+$0x6000];
	v5 =	vadd.f32 v12, v5  }
0x36: {  	v14 =	vld [tilespmem:s23+$0x5F90];
	v4 =	vadd.f32 v11, v4  }
0x37: {  	v15 =	vld [tilespmem:s23+$0x5FA0];
	v3 =	vadd.f32 v6, v3  }
.Ltmp2:
0x38: {  	v12 =	vld [tilespmem:s23+$0x5FB0];
	v1 =	vadd.f32 v7, v1;
	(pc) =	sbr.rel @p0 .LBB2_3-.Ltmp2, $4  }
0x39: {  	v11 =	vld [tilespmem:s23+$0x5FC0];
	v0 =	vadd.f32 v9, v0  }
0x3a: {  	v6 =	vld [tilespmem:s23+$0x5FD0];
	v2 =	vadd.f32 v13, v2  }
0x3b: {  	v10 =	vadd.f32 v14, v10;
	v7 =	vld [tilespmem:s23+$0x5FE0]  }
0x3c: {  	v8 =	vadd.f32 v15, v8;
	v9 =	vld [tilespmem:s23+$0x5FF0];
	s23 =	sshra.s32 s24, $0x2;
	s24 =	sadd.s32 $0x200, s24  }
0x3d: {  	v13 =	vld [tilespmem:s23+$0x6000]  }
0x3e: {  	v14 =	vld [tilespmem:s23+$0x5F90]  }
0x3f: {  	v15 =	vld [tilespmem:s23+$0x5FA0]  }
0x40: {  	v16 =	vld [tilespmem:s23+$0x5FB0]  }
0x41: {  	v17 =	vld [tilespmem:s23+$0x5FC0]  }
0x42: {  	v18 =	vld [tilespmem:s23+$0x5FD0]  }
0x43: {  	v5 =	vadd.f32 v12, v5;
	v12 =	vld [tilespmem:s23+$0x5FE0];
	s24 =	sshll.u32 s22, $0xC;
	v10 =	vadd.f32 v14, v10  }
0x44: {  	v4 =	vadd.f32 v11, v4;
	v11 =	vld [tilespmem:s23+$0x5FF0];
	s23 =	sshra.s32 s24, $0x2;
	v8 =	vadd.f32 v15, v8  }
0x45: {  	v3 =	vadd.f32 v6, v3;
	v5 =	vadd.f32 v16, v5;
	[tilespmem:s23+$0x2000] =	vst v10  }
0x46: {  	v1 =	vadd.f32 v7, v1;
	v4 =	vadd.f32 v17, v4;
	[tilespmem:s23+$0x2010] =	vst v8  }
0x47: {  	v3 =	vadd.f32 v18, v3;
	[tilespmem:s23+$0x2020] =	vst v5  }
0x48: {  	v0 =	vadd.f32 v9, v0;
	v1 =	vadd.f32 v12, v1;
	[tilespmem:s23+$0x2030] =	vst v4  }
0x49: {  	v2 =	vadd.f32 v13, v2;
	[tilespmem:s23+$0x2040] =	vst v3  }
0x4a: {  	v0 =	vadd.f32 v11, v0;
	[tilespmem:s23+$0x2050] =	vst v1  }
0x4b: {  	[tilespmem:s23+$0x2070] =	vst v2  }
0x4c: {  	[tilespmem:s23+$0x2060] =	vst v0  }
0x4d: {  	v8 =	vld [tilespmem:$0x7900]  }
0x4e: {  	v9 =	vld [tilespmem:$0x7910]  }
0x4f: {  	v5 =	vld [tilespmem:$0x7920]  }
0x50: {  	v4 =	vld [tilespmem:$0x7930]  }
0x51: {  	v3 =	vld [tilespmem:$0x7940]  }
0x52: {  	v1 =	vld [tilespmem:$0x7950]  }
0x53: {  	v0 =	vld [tilespmem:$0x7960]  }
0x54: {  	s26 =	simm.s32 $0x0;
	v2 =	vld [tilespmem:$0x7970]  }
0x55: {  	v7 =	vld [tilespmem:s26+$0x79F0]  }
0x56: {  	v11 =	vld [tilespmem:s26+$0x7980]  }
0x57: {  	v13 =	vld [tilespmem:s26+$0x7990]  }
0x58: {  	v12 =	vld [tilespmem:s26+$0x79A0]  }
0x59: {  	v10 =	vld [tilespmem:s26+$0x79B0]  }
0x5a: {  	v6 =	vld [tilespmem:s26+$0x79C0]  }
0x5b: {  	v2 =	vadd.f32 v7, v2;
	v7 =	vld [tilespmem:s26+$0x79D0]  }
0x5c: {  	s25 =	simm.s32 $0x400;
	s24 =	simm.s32 $0x80;
	v8 =	vadd.f32 v11, v8;
	v9 =	vadd.f32 v13, v9;
	v11 =	vld [tilespmem:s26+$0x79E0]  }
.LBB2_5:
0x5d: {  	p0 =	sne.s32 s25, $0x6000;
	v13 =	vld [tilespmem:s24+$0x79F0];
	v5 =	vadd.f32 v12, v5  }
0x5e: {  	v14 =	vld [tilespmem:s24+$0x7980];
	v4 =	vadd.f32 v10, v4  }
0x5f: {  	v15 =	vld [tilespmem:s24+$0x7990];
	v3 =	vadd.f32 v6, v3  }
.Ltmp3:
0x60: {  	v12 =	vld [tilespmem:s24+$0x79A0];
	v1 =	vadd.f32 v7, v1;
	(pc) =	sbr.rel @p0 .LBB2_5-.Ltmp3, $4  }
0x61: {  	v10 =	vld [tilespmem:s24+$0x79B0];
	v0 =	vadd.f32 v11, v0  }
0x62: {  	v6 =	vld [tilespmem:s24+$0x79C0];
	v2 =	vadd.f32 v13, v2  }
0x63: {  	v8 =	vadd.f32 v14, v8;
	v7 =	vld [tilespmem:s24+$0x79D0]  }
0x64: {  	v9 =	vadd.f32 v15, v9;
	v11 =	vld [tilespmem:s24+$0x79E0];
	s24 =	sshra.s32 s25, $0x2;
	s25 =	sadd.s32 $0x200, s25  }
0x65: {  	v14 =	vld [tilespmem:s24+$0x7980]  }
0x66: {  	v15 =	vld [tilespmem:s24+$0x7990]  }
0x67: {  	v16 =	vld [tilespmem:s24+$0x79A0]  }
0x68: {  	v17 =	vld [tilespmem:s24+$0x79B0]  }
0x69: {  	v18 =	vld [tilespmem:s24+$0x79C0]  }
0x6a: {  	v5 =	vadd.f32 v12, v5;
	v12 =	vld [tilespmem:s24+$0x79D0];
	v8 =	vadd.f32 v14, v8  }
0x6b: {  	v13 =	vld [tilespmem:s24+$0x79F0];
	v4 =	vadd.f32 v10, v4;
	v9 =	vadd.f32 v15, v9  }
0x6c: {  	v10 =	vld [tilespmem:s24+$0x79E0];
	v3 =	vadd.f32 v6, v3;
	v5 =	vadd.f32 v16, v5;
	[tilespmem:s23+$0x2080] =	vst v8  }
0x6d: {  	v1 =	vadd.f32 v7, v1;
	v4 =	vadd.f32 v17, v4;
	[tilespmem:s23+$0x2090] =	vst v9  }
0x6e: {  	v3 =	vadd.f32 v18, v3;
	[tilespmem:s23+$0x20A0] =	vst v5  }
0x6f: {  	v0 =	vadd.f32 v11, v0;
	v1 =	vadd.f32 v12, v1;
	[tilespmem:s23+$0x20B0] =	vst v4  }
0x70: {  	v2 =	vadd.f32 v13, v2;
	[tilespmem:s23+$0x20C0] =	vst v3  }
0x71: {  	p0 =	seq.s32 s22, $0xF;
	s24 =	sshll.u32 s22, $0xB;
	v0 =	vadd.f32 v10, v0;
	[tilespmem:s23+$0x20D0] =	vst v1  }
0x72: {  	s25 =	sshrl.u32 @!p0 s24, $0x2;
	[tilespmem:s23+$0x20F0] =	vst v2  }
0x73: {  	s28 =	simm.s32 @!p0 $0x64;
	s29 =	simm.s32 @!p0 $0x6000;
	s26 =	sadd.s32 @!p0 $0x200, s25;
	[tilespmem:s23+$0x20E0] =	vst v0  }
0x74: {  	[tilespmem:s29], [sflag:$0x1] =	stream.indirect.gather @!p0 [hbm4b:s2+s28], $0x80, s26, s28, $0xb8;
	[tilespmem:$0x13000] =	vst v63  }
0x75: {  	_ =	swait.ge [sflag:s17], $0x3200  }
0x76: {  	[sflag:s17] =	ssyncset.done $0x0  }
0x77: {  	[sflag:s17] =	ssyncadd.s32 $0xFFFFCE00  }
0x78: {  	v8 =	vld [tilespmem:$0x9400]  }
0x79: {  	v9 =	vld [tilespmem:$0x9410]  }
0x7a: {  	v5 =	vld [tilespmem:$0x9420]  }
0x7b: {  	v4 =	vld [tilespmem:$0x9430]  }
0x7c: {  	v3 =	vld [tilespmem:$0x9440]  }
0x7d: {  	v1 =	vld [tilespmem:$0x9450]  }
0x7e: {  	v0 =	vld [tilespmem:$0x9460]  }
0x7f: {  	s31 =	simm.s32 $0xF0;
	v2 =	vld [tilespmem:$0x9470]  }
0x80: {  	v7 =	vld [tilespmem:s31+$0x9400]  }
0x81: {  	v11 =	vld [tilespmem:s31+$0x9390]  }
0x82: {  	v13 =	vld [tilespmem:s31+$0x93A0]  }
0x83: {  	v12 =	vld [tilespmem:s31+$0x93B0]  }
0x84: {  	v10 =	vld [tilespmem:s31+$0x93C0]  }
0x85: {  	v6 =	vld [tilespmem:s31+$0x93D0]  }
0x86: {  	v2 =	vadd.f32 v7, v2;
	v7 =	vld [tilespmem:s31+$0x93E0]  }
0x87: {  	s26 =	simm.s32 $0x170;
	s28 =	simm.s32 $0x7C0;
	v8 =	vadd.f32 v11, v8;
	v9 =	vadd.f32 v13, v9;
	v11 =	vld [tilespmem:s31+$0x93F0]  }
.LBB2_7:
0x88: {  	p1 =	sne.s32 s28, $0x63C0;
	v13 =	vld [tilespmem:s26+$0x9400];
	v5 =	vadd.f32 v12, v5  }
0x89: {  	v14 =	vld [tilespmem:s26+$0x9390];
	v4 =	vadd.f32 v10, v4  }
0x8a: {  	v15 =	vld [tilespmem:s26+$0x93A0];
	v3 =	vadd.f32 v6, v3  }
.Ltmp4:
0x8b: {  	v12 =	vld [tilespmem:s26+$0x93B0];
	v1 =	vadd.f32 v7, v1;
	(pc) =	sbr.rel @p1 .LBB2_7-.Ltmp4, $4  }
0x8c: {  	v10 =	vld [tilespmem:s26+$0x93C0];
	v0 =	vadd.f32 v11, v0  }
0x8d: {  	v6 =	vld [tilespmem:s26+$0x93D0];
	v2 =	vadd.f32 v13, v2  }
0x8e: {  	v8 =	vadd.f32 v14, v8;
	v7 =	vld [tilespmem:s26+$0x93E0]  }
0x8f: {  	v9 =	vadd.f32 v15, v9;
	v11 =	vld [tilespmem:s26+$0x93F0];
	s26 =	sshra.s32 s28, $0x2;
	s28 =	sadd.s32 $0x200, s28  }
0x90: {  	v14 =	vld [tilespmem:s26+$0x9390]  }
0x91: {  	v15 =	vld [tilespmem:s26+$0x93A0]  }
0x92: {  	v16 =	vld [tilespmem:s26+$0x93B0]  }
0x93: {  	v17 =	vld [tilespmem:s26+$0x93C0]  }
0x94: {  	v18 =	vld [tilespmem:s26+$0x93D0]  }
0x95: {  	v5 =	vadd.f32 v12, v5;
	v12 =	vld [tilespmem:s26+$0x93E0];
	v8 =	vadd.f32 v14, v8  }
0x96: {  	v13 =	vld [tilespmem:s26+$0x9400];
	v4 =	vadd.f32 v10, v4;
	v9 =	vadd.f32 v15, v9  }
0x97: {  	v10 =	vld [tilespmem:s26+$0x93F0];
	v3 =	vadd.f32 v6, v3;
	v5 =	vadd.f32 v16, v5;
	[tilespmem:s23+$0x2100] =	vst v8  }
0x98: {  	v1 =	vadd.f32 v7, v1;
	v4 =	vadd.f32 v17, v4;
	[tilespmem:s23+$0x2110] =	vst v9  }
0x99: {  	v3 =	vadd.f32 v18, v3;
	[tilespmem:s23+$0x2120] =	vst v5  }
0x9a: {  	v0 =	vadd.f32 v11, v0;
	v1 =	vadd.f32 v12, v1;
	[tilespmem:s23+$0x2130] =	vst v4  }
0x9b: {  	v2 =	vadd.f32 v13, v2;
	[tilespmem:s23+$0x2140] =	vst v3  }
0x9c: {  	v0 =	vadd.f32 v10, v0;
	[tilespmem:s23+$0x2150] =	vst v1  }
0x9d: {  	[tilespmem:s23+$0x2170] =	vst v2  }
0x9e: {  	[tilespmem:s23+$0x2160] =	vst v0  }
0x9f: {  	v8 =	vld [tilespmem:$0xAD00]  }
0xa0: {  	v9 =	vld [tilespmem:$0xAD10]  }
0xa1: {  	v5 =	vld [tilespmem:$0xAD20]  }
0xa2: {  	v4 =	vld [tilespmem:$0xAD30]  }
0xa3: {  	v3 =	vld [tilespmem:$0xAD40]  }
0xa4: {  	v1 =	vld [tilespmem:$0xAD50]  }
0xa5: {  	v0 =	vld [tilespmem:$0xAD60]  }
0xa6: {  	s29 =	simm.s32 $0x0;
	v2 =	vld [tilespmem:$0xAD70]  }
0xa7: {  	v7 =	vld [tilespmem:s29+$0xADF0]  }
0xa8: {  	v11 =	vld [tilespmem:s29+$0xAD80]  }
0xa9: {  	v13 =	vld [tilespmem:s29+$0xAD90]  }
0xaa: {  	v12 =	vld [tilespmem:s29+$0xADA0]  }
0xab: {  	v10 =	vld [tilespmem:s29+$0xADB0]  }
0xac: {  	v6 =	vld [tilespmem:s29+$0xADC0]  }
0xad: {  	v2 =	vadd.f32 v7, v2;
	v7 =	vld [tilespmem:s29+$0xADD0]  }
0xae: {  	s28 =	simm.s32 $0x400;
	s26 =	simm.s32 $0x80;
	v8 =	vadd.f32 v11, v8;
	v9 =	vadd.f32 v13, v9;
	v11 =	vld [tilespmem:s29+$0xADE0]  }
.LBB2_9:
0xaf: {  	p1 =	sne.s32 s28, $0x6000;
	v13 =	vld [tilespmem:s26+$0xADF0];
	v5 =	vadd.f32 v12, v5  }
0xb0: {  	v14 =	vld [tilespmem:s26+$0xAD80];
	v4 =	vadd.f32 v10, v4  }
0xb1: {  	v15 =	vld [tilespmem:s26+$0xAD90];
	v3 =	vadd.f32 v6, v3  }
.Ltmp5:
0xb2: {  	v12 =	vld [tilespmem:s26+$0xADA0];
	v1 =	vadd.f32 v7, v1;
	(pc) =	sbr.rel @p1 .LBB2_9-.Ltmp5, $4  }
0xb3: {  	v10 =	vld [tilespmem:s26+$0xADB0];
	v0 =	vadd.f32 v11, v0  }
0xb4: {  	v6 =	vld [tilespmem:s26+$0xADC0];
	v2 =	vadd.f32 v13, v2  }
0xb5: {  	v8 =	vadd.f32 v14, v8;
	v7 =	vld [tilespmem:s26+$0xADD0]  }
0xb6: {  	v9 =	vadd.f32 v15, v9;
	v11 =	vld [tilespmem:s26+$0xADE0];
	s26 =	sshra.s32 s28, $0x2;
	s28 =	sadd.s32 $0x200, s28  }
0xb7: {  	v14 =	vld [tilespmem:s26+$0xAD80]  }
0xb8: {  	v15 =	vld [tilespmem:s26+$0xAD90]  }
0xb9: {  	v16 =	vld [tilespmem:s26+$0xADA0]  }
0xba: {  	v17 =	vld [tilespmem:s26+$0xADB0]  }
0xbb: {  	v18 =	vld [tilespmem:s26+$0xADC0]  }
0xbc: {  	v5 =	vadd.f32 v12, v5;
	v12 =	vld [tilespmem:s26+$0xADD0];
	v8 =	vadd.f32 v14, v8  }
0xbd: {  	v13 =	vld [tilespmem:s26+$0xADF0];
	v4 =	vadd.f32 v10, v4;
	v9 =	vadd.f32 v15, v9  }
0xbe: {  	v10 =	vld [tilespmem:s26+$0xADE0];
	v3 =	vadd.f32 v6, v3;
	v5 =	vadd.f32 v16, v5;
	[tilespmem:s23+$0x2180] =	vst v8  }
0xbf: {  	v1 =	vadd.f32 v7, v1;
	v4 =	vadd.f32 v17, v4;
	[tilespmem:s23+$0x2190] =	vst v9  }
0xc0: {  	v3 =	vadd.f32 v18, v3;
	[tilespmem:s23+$0x21A0] =	vst v5  }
0xc1: {  	v0 =	vadd.f32 v11, v0;
	v1 =	vadd.f32 v12, v1;
	[tilespmem:s23+$0x21B0] =	vst v4  }
0xc2: {  	v2 =	vadd.f32 v13, v2;
	[tilespmem:s23+$0x21C0] =	vst v3  }
0xc3: {  	v0 =	vadd.f32 v10, v0;
	[tilespmem:s23+$0x21D0] =	vst v1  }
0xc4: {  	[tilespmem:s23+$0x21F0] =	vst v2  }
0xc5: {  	s28 =	simm.s32 @!p0 $0x64;
	s29 =	simm.s32 @!p0 $0x9400;
	s26 =	sadd.s32 @!p0 $0x280, s25;
	[tilespmem:s23+$0x21E0] =	vst v0  }
0xc6: {  	[tilespmem:s29], [sflag:$0x2] =	stream.indirect.gather @!p0 [hbm4b:s2+s28], $0x80, s26, s28, $0xb8;
	[tilespmem:$0x13000] =	vst v63  }
0xc7: {  	_ =	swait.ge [sflag:s18], $0x3200  }
0xc8: {  	[sflag:s18] =	ssyncset.done $0x0  }
0xc9: {  	[sflag:s18] =	ssyncadd.s32 $0xFFFFCE00  }
0xca: {  	v8 =	vld [tilespmem:$0xC800]  }
0xcb: {  	v9 =	vld [tilespmem:$0xC810]  }
0xcc: {  	v5 =	vld [tilespmem:$0xC820]  }
0xcd: {  	v4 =	vld [tilespmem:$0xC830]  }
0xce: {  	v3 =	vld [tilespmem:$0xC840]  }
0xcf: {  	v1 =	vld [tilespmem:$0xC850]  }
0xd0: {  	v0 =	vld [tilespmem:$0xC860]  }
0xd1: {  	s31 =	simm.s32 $0xF0;
	v2 =	vld [tilespmem:$0xC870]  }
0xd2: {  	v7 =	vld [tilespmem:s31+$0xC800]  }
0xd3: {  	v11 =	vld [tilespmem:s31+$0xC790]  }
0xd4: {  	v13 =	vld [tilespmem:s31+$0xC7A0]  }
0xd5: {  	v12 =	vld [tilespmem:s31+$0xC7B0]  }
0xd6: {  	v10 =	vld [tilespmem:s31+$0xC7C0]  }
0xd7: {  	v6 =	vld [tilespmem:s31+$0xC7D0]  }
0xd8: {  	v2 =	vadd.f32 v7, v2;
	v7 =	vld [tilespmem:s31+$0xC7E0]  }
0xd9: {  	s26 =	simm.s32 $0x170;
	s28 =	simm.s32 $0x7C0;
	v8 =	vadd.f32 v11, v8;
	v9 =	vadd.f32 v13, v9;
	v11 =	vld [tilespmem:s31+$0xC7F0]  }
.LBB2_11:
0xda: {  	p1 =	sne.s32 s28, $0x63C0;
	v13 =	vld [tilespmem:s26+$0xC800];
	v5 =	vadd.f32 v12, v5  }
0xdb: {  	v14 =	vld [tilespmem:s26+$0xC790];
	v4 =	vadd.f32 v10, v4  }
0xdc: {  	v15 =	vld [tilespmem:s26+$0xC7A0];
	v3 =	vadd.f32 v6, v3  }
.Ltmp6:
0xdd: {  	v12 =	vld [tilespmem:s26+$0xC7B0];
	v1 =	vadd.f32 v7, v1;
	(pc) =	sbr.rel @p1 .LBB2_11-.Ltmp6, $4  }
0xde: {  	v10 =	vld [tilespmem:s26+$0xC7C0];
	v0 =	vadd.f32 v11, v0  }
0xdf: {  	v6 =	vld [tilespmem:s26+$0xC7D0];
	v2 =	vadd.f32 v13, v2  }
0xe0: {  	v8 =	vadd.f32 v14, v8;
	v7 =	vld [tilespmem:s26+$0xC7E0]  }
0xe1: {  	v9 =	vadd.f32 v15, v9;
	v11 =	vld [tilespmem:s26+$0xC7F0];
	s26 =	sshra.s32 s28, $0x2;
	s28 =	sadd.s32 $0x200, s28  }
0xe2: {  	v14 =	vld [tilespmem:s26+$0xC790]  }
0xe3: {  	v15 =	vld [tilespmem:s26+$0xC7A0]  }
0xe4: {  	v16 =	vld [tilespmem:s26+$0xC7B0]  }
0xe5: {  	v17 =	vld [tilespmem:s26+$0xC7C0]  }
0xe6: {  	v18 =	vld [tilespmem:s26+$0xC7D0]  }
0xe7: {  	v5 =	vadd.f32 v12, v5;
	v12 =	vld [tilespmem:s26+$0xC7E0];
	v8 =	vadd.f32 v14, v8  }
0xe8: {  	v13 =	vld [tilespmem:s26+$0xC800];
	v4 =	vadd.f32 v10, v4;
	v9 =	vadd.f32 v15, v9  }
0xe9: {  	v10 =	vld [tilespmem:s26+$0xC7F0];
	v3 =	vadd.f32 v6, v3;
	v5 =	vadd.f32 v16, v5;
	[tilespmem:s23+$0x2200] =	vst v8  }
0xea: {  	v1 =	vadd.f32 v7, v1;
	v4 =	vadd.f32 v17, v4;
	[tilespmem:s23+$0x2210] =	vst v9  }
0xeb: {  	v3 =	vadd.f32 v18, v3;
	[tilespmem:s23+$0x2220] =	vst v5  }
0xec: {  	v0 =	vadd.f32 v11, v0;
	v1 =	vadd.f32 v12, v1;
	[tilespmem:s23+$0x2230] =	vst v4  }
0xed: {  	v2 =	vadd.f32 v13, v2;
	[tilespmem:s23+$0x2240] =	vst v3  }
0xee: {  	v0 =	vadd.f32 v10, v0;
	[tilespmem:s23+$0x2250] =	vst v1  }
0xef: {  	[tilespmem:s23+$0x2270] =	vst v2  }
0xf0: {  	[tilespmem:s23+$0x2260] =	vst v0  }
0xf1: {  	v8 =	vld [tilespmem:$0xE100]  }
0xf2: {  	v9 =	vld [tilespmem:$0xE110]  }
0xf3: {  	v5 =	vld [tilespmem:$0xE120]  }
0xf4: {  	v4 =	vld [tilespmem:$0xE130]  }
0xf5: {  	v3 =	vld [tilespmem:$0xE140]  }
0xf6: {  	v1 =	vld [tilespmem:$0xE150]  }
0xf7: {  	v0 =	vld [tilespmem:$0xE160]  }
0xf8: {  	s29 =	simm.s32 $0x0;
	v2 =	vld [tilespmem:$0xE170]  }
0xf9: {  	v7 =	vld [tilespmem:s29+$0xE1F0]  }
0xfa: {  	v11 =	vld [tilespmem:s29+$0xE180]  }
0xfb: {  	v13 =	vld [tilespmem:s29+$0xE190]  }
0xfc: {  	v12 =	vld [tilespmem:s29+$0xE1A0]  }
0xfd: {  	v10 =	vld [tilespmem:s29+$0xE1B0]  }
0xfe: {  	v6 =	vld [tilespmem:s29+$0xE1C0]  }
0xff: {  	v2 =	vadd.f32 v7, v2;
	v7 =	vld [tilespmem:s29+$0xE1D0]  }
0x100: {  	s28 =	simm.s32 $0x400;
	s26 =	simm.s32 $0x80;
	v8 =	vadd.f32 v11, v8;
	v9 =	vadd.f32 v13, v9;
	v11 =	vld [tilespmem:s29+$0xE1E0]  }
.LBB2_13:
0x101: {  	p1 =	sne.s32 s28, $0x6000;
	v13 =	vld [tilespmem:s26+$0xE1F0];
	v5 =	vadd.f32 v12, v5  }
0x102: {  	v14 =	vld [tilespmem:s26+$0xE180];
	v4 =	vadd.f32 v10, v4  }
0x103: {  	v15 =	vld [tilespmem:s26+$0xE190];
	v3 =	vadd.f32 v6, v3  }
.Ltmp7:
0x104: {  	v12 =	vld [tilespmem:s26+$0xE1A0];
	v1 =	vadd.f32 v7, v1;
	(pc) =	sbr.rel @p1 .LBB2_13-.Ltmp7, $4  }
0x105: {  	v10 =	vld [tilespmem:s26+$0xE1B0];
	v0 =	vadd.f32 v11, v0  }
0x106: {  	v6 =	vld [tilespmem:s26+$0xE1C0];
	v2 =	vadd.f32 v13, v2  }
0x107: {  	v8 =	vadd.f32 v14, v8;
	v7 =	vld [tilespmem:s26+$0xE1D0]  }
0x108: {  	v9 =	vadd.f32 v15, v9;
	v11 =	vld [tilespmem:s26+$0xE1E0];
	s26 =	sshra.s32 s28, $0x2;
	s28 =	sadd.s32 $0x200, s28  }
0x109: {  	v14 =	vld [tilespmem:s26+$0xE180]  }
0x10a: {  	v15 =	vld [tilespmem:s26+$0xE190]  }
0x10b: {  	v16 =	vld [tilespmem:s26+$0xE1A0]  }
0x10c: {  	v17 =	vld [tilespmem:s26+$0xE1B0]  }
0x10d: {  	v18 =	vld [tilespmem:s26+$0xE1C0]  }
0x10e: {  	v5 =	vadd.f32 v12, v5;
	v12 =	vld [tilespmem:s26+$0xE1D0];
	v8 =	vadd.f32 v14, v8  }
0x10f: {  	v13 =	vld [tilespmem:s26+$0xE1F0];
	v4 =	vadd.f32 v10, v4;
	v9 =	vadd.f32 v15, v9  }
0x110: {  	v10 =	vld [tilespmem:s26+$0xE1E0];
	v3 =	vadd.f32 v6, v3;
	v5 =	vadd.f32 v16, v5;
	[tilespmem:s23+$0x2280] =	vst v8  }
0x111: {  	v1 =	vadd.f32 v7, v1;
	v4 =	vadd.f32 v17, v4;
	[tilespmem:s23+$0x2290] =	vst v9  }
0x112: {  	v3 =	vadd.f32 v18, v3;
	[tilespmem:s23+$0x22A0] =	vst v5  }
0x113: {  	v0 =	vadd.f32 v11, v0;
	v1 =	vadd.f32 v12, v1;
	[tilespmem:s23+$0x22B0] =	vst v4  }
0x114: {  	v2 =	vadd.f32 v13, v2;
	[tilespmem:s23+$0x22C0] =	vst v3  }
0x115: {  	v0 =	vadd.f32 v10, v0;
	[tilespmem:s23+$0x22D0] =	vst v1  }
0x116: {  	[tilespmem:s23+$0x22F0] =	vst v2  }
0x117: {  	s25 =	sadd.s32 @!p0 $0x300, s25;
	s28 =	simm.s32 @!p0 $0xC800;
	s26 =	simm.s32 @!p0 $0x64;
	[tilespmem:s23+$0x22E0] =	vst v0  }
0x118: {  	[tilespmem:s28], [sflag:$0x3] =	stream.indirect.gather @!p0 [hbm4b:s2+s26], $0x80, s25, s26, $0xb8;
	[tilespmem:$0x13000] =	vst v63  }
0x119: {  	_ =	swait.ge [sflag:s19], $0x3200  }
0x11a: {  	[sflag:s19] =	ssyncset.done $0x0  }
0x11b: {  	[sflag:s19] =	ssyncadd.s32 $0xFFFFCE00  }
0x11c: {  	v8 =	vld [tilespmem:$0xFC00]  }
0x11d: {  	v9 =	vld [tilespmem:$0xFC10]  }
0x11e: {  	v5 =	vld [tilespmem:$0xFC20]  }
0x11f: {  	v4 =	vld [tilespmem:$0xFC30]  }
0x120: {  	v3 =	vld [tilespmem:$0xFC40]  }
0x121: {  	v1 =	vld [tilespmem:$0xFC50]  }
0x122: {  	v0 =	vld [tilespmem:$0xFC60]  }
0x123: {  	s31 =	simm.s32 $0xF0;
	v2 =	vld [tilespmem:$0xFC70]  }
0x124: {  	v7 =	vld [tilespmem:s31+$0xFC00]  }
0x125: {  	v11 =	vld [tilespmem:s31+$0xFB90]  }
0x126: {  	v13 =	vld [tilespmem:s31+$0xFBA0]  }
0x127: {  	v12 =	vld [tilespmem:s31+$0xFBB0]  }
0x128: {  	v10 =	vld [tilespmem:s31+$0xFBC0]  }
0x129: {  	v6 =	vld [tilespmem:s31+$0xFBD0]  }
0x12a: {  	v2 =	vadd.f32 v7, v2;
	v7 =	vld [tilespmem:s31+$0xFBE0]  }
0x12b: {  	s25 =	simm.s32 $0x170;
	s26 =	simm.s32 $0x7C0;
	v8 =	vadd.f32 v11, v8;
	v9 =	vadd.f32 v13, v9;
	v11 =	vld [tilespmem:s31+$0xFBF0]  }
.LBB2_15:
0x12c: {  	p1 =	sne.s32 s26, $0x63C0;
	v13 =	vld [tilespmem:s25+$0xFC00];
	v5 =	vadd.f32 v12, v5  }
0x12d: {  	v14 =	vld [tilespmem:s25+$0xFB90];
	v4 =	vadd.f32 v10, v4  }
0x12e: {  	v15 =	vld [tilespmem:s25+$0xFBA0];
	v3 =	vadd.f32 v6, v3  }
.Ltmp8:
0x12f: {  	v12 =	vld [tilespmem:s25+$0xFBB0];
	v1 =	vadd.f32 v7, v1;
	(pc) =	sbr.rel @p1 .LBB2_15-.Ltmp8, $4  }
0x130: {  	v10 =	vld [tilespmem:s25+$0xFBC0];
	v0 =	vadd.f32 v11, v0  }
0x131: {  	v6 =	vld [tilespmem:s25+$0xFBD0];
	v2 =	vadd.f32 v13, v2  }
0x132: {  	v8 =	vadd.f32 v14, v8;
	v7 =	vld [tilespmem:s25+$0xFBE0]  }
0x133: {  	v9 =	vadd.f32 v15, v9;
	v11 =	vld [tilespmem:s25+$0xFBF0];
	s25 =	sshra.s32 s26, $0x2;
	s26 =	sadd.s32 $0x200, s26  }
0x134: {  	v14 =	vld [tilespmem:s25+$0xFB90]  }
0x135: {  	v15 =	vld [tilespmem:s25+$0xFBA0]  }
0x136: {  	v16 =	vld [tilespmem:s25+$0xFBB0]  }
0x137: {  	v17 =	vld [tilespmem:s25+$0xFBC0]  }
0x138: {  	v18 =	vld [tilespmem:s25+$0xFBD0]  }
0x139: {  	v5 =	vadd.f32 v12, v5;
	v12 =	vld [tilespmem:s25+$0xFBE0];
	v8 =	vadd.f32 v14, v8  }
0x13a: {  	v13 =	vld [tilespmem:s25+$0xFC00];
	v4 =	vadd.f32 v10, v4;
	v9 =	vadd.f32 v15, v9  }
0x13b: {  	v10 =	vld [tilespmem:s25+$0xFBF0];
	v3 =	vadd.f32 v6, v3;
	v5 =	vadd.f32 v16, v5;
	[tilespmem:s23+$0x2300] =	vst v8  }
0x13c: {  	v1 =	vadd.f32 v7, v1;
	v4 =	vadd.f32 v17, v4;
	[tilespmem:s23+$0x2310] =	vst v9  }
0x13d: {  	v3 =	vadd.f32 v18, v3;
	[tilespmem:s23+$0x2320] =	vst v5  }
0x13e: {  	v0 =	vadd.f32 v11, v0;
	v1 =	vadd.f32 v12, v1;
	[tilespmem:s23+$0x2330] =	vst v4  }
0x13f: {  	v2 =	vadd.f32 v13, v2;
	[tilespmem:s23+$0x2340] =	vst v3  }
0x140: {  	v0 =	vadd.f32 v10, v0;
	[tilespmem:s23+$0x2350] =	vst v1  }
0x141: {  	[tilespmem:s23+$0x2370] =	vst v2  }
0x142: {  	[tilespmem:s23+$0x2360] =	vst v0  }
0x143: {  	v8 =	vld [tilespmem:$0x11500]  }
0x144: {  	v9 =	vld [tilespmem:$0x11510]  }
0x145: {  	v5 =	vld [tilespmem:$0x11520]  }
0x146: {  	v4 =	vld [tilespmem:$0x11530]  }
0x147: {  	v3 =	vld [tilespmem:$0x11540]  }
0x148: {  	v1 =	vld [tilespmem:$0x11550]  }
0x149: {  	v0 =	vld [tilespmem:$0x11560]  }
0x14a: {  	s28 =	simm.s32 $0x0;
	v2 =	vld [tilespmem:$0x11570]  }
0x14b: {  	v7 =	vld [tilespmem:s28+$0x115F0]  }
0x14c: {  	v11 =	vld [tilespmem:s28+$0x11580]  }
0x14d: {  	v13 =	vld [tilespmem:s28+$0x11590]  }
0x14e: {  	v12 =	vld [tilespmem:s28+$0x115A0]  }
0x14f: {  	v10 =	vld [tilespmem:s28+$0x115B0]  }
0x150: {  	v6 =	vld [tilespmem:s28+$0x115C0]  }
0x151: {  	v2 =	vadd.f32 v7, v2;
	v7 =	vld [tilespmem:s28+$0x115D0]  }
0x152: {  	s26 =	simm.s32 $0x400;
	s25 =	simm.s32 $0x80;
	v8 =	vadd.f32 v11, v8;
	v9 =	vadd.f32 v13, v9;
	v11 =	vld [tilespmem:s28+$0x115E0]  }
.LBB2_17:
0x153: {  	p1 =	sne.s32 s26, $0x6000;
	v13 =	vld [tilespmem:s25+$0x115F0];
	v5 =	vadd.f32 v12, v5  }
0x154: {  	v14 =	vld [tilespmem:s25+$0x11580];
	v4 =	vadd.f32 v10, v4  }
0x155: {  	v15 =	vld [tilespmem:s25+$0x11590];
	v3 =	vadd.f32 v6, v3  }
.Ltmp9:
0x156: {  	v12 =	vld [tilespmem:s25+$0x115A0];
	v1 =	vadd.f32 v7, v1;
	(pc) =	sbr.rel @p1 .LBB2_17-.Ltmp9, $4  }
0x157: {  	v10 =	vld [tilespmem:s25+$0x115B0];
	v0 =	vadd.f32 v11, v0  }
0x158: {  	v6 =	vld [tilespmem:s25+$0x115C0];
	v2 =	vadd.f32 v13, v2  }
0x159: {  	v8 =	vadd.f32 v14, v8;
	v7 =	vld [tilespmem:s25+$0x115D0]  }
0x15a: {  	v9 =	vadd.f32 v15, v9;
	v11 =	vld [tilespmem:s25+$0x115E0];
	s25 =	sshra.s32 s26, $0x2;
	s26 =	sadd.s32 $0x200, s26  }
0x15b: {  	v14 =	vld [tilespmem:s25+$0x11580]  }
0x15c: {  	v15 =	vld [tilespmem:s25+$0x11590]  }
0x15d: {  	v16 =	vld [tilespmem:s25+$0x115A0]  }
0x15e: {  	v17 =	vld [tilespmem:s25+$0x115B0]  }
0x15f: {  	v18 =	vld [tilespmem:s25+$0x115C0]  }
0x160: {  	v5 =	vadd.f32 v12, v5;
	v62 =	vld [tilespmem:s25+$0x115D0];
	v8 =	vadd.f32 v14, v8  }
0x161: {  	v13 =	vld [tilespmem:s25+$0x115F0];
	v4 =	vadd.f32 v10, v4;
	v9 =	vadd.f32 v15, v9  }
0x162: {  	v63 =	vld [tilespmem:s25+$0x115E0];
	v3 =	vadd.f32 v6, v3;
	v5 =	vadd.f32 v16, v5;
	[tilespmem:s23+$0x2380] =	vst v8  }
0x163: {  	v1 =	vadd.f32 v7, v1;
	v4 =	vadd.f32 v17, v4;
	[tilespmem:s23+$0x2390] =	vst v9  }
0x164: {  	v3 =	vadd.f32 v18, v3;
	[tilespmem:s23+$0x23A0] =	vst v5  }
.Ltmp10:
0x165: {  	v0 =	vadd.f32 v11, v0;
	v1 =	vadd.f32 v62, v1;
	[tilespmem:s23+$0x23B0] =	vst v4;
	(pc) =	sbr.rel @p0 .LBB2_20-.Ltmp10, $4  }
0x166: {  	v2 =	vadd.f32 v13, v2;
	[tilespmem:s23+$0x23C0] =	vst v3  }
0x167: {  	v0 =	vadd.f32 v63, v0;
	[tilespmem:s23+$0x23D0] =	vst v1  }
0x168: {  	[tilespmem:s23+$0x23F0] =	vst v2  }
0x169: {  	[tilespmem:s23+$0x23E0] =	vst v0  }
.Ltmp11:
0x16a: {  	(pc) =	sbr.rel .LBB2_2-.Ltmp11, $4  }
0x16b: {  	_ = 	snop  }
0x16c: {  	s23 =	sshrl.u32 s24, $0x2  }
0x16d: {  	s22 =	sadd.s32 $0x1, s22;
	s23 =	sadd.s32 $0x380, s23  }
0x16e: {  	[tilespmem:s15], [sflag:$0x4] =	stream.indirect.gather [hbm4b:s2+s8], $0x80, s23, s8, $0xb8;
	[tilespmem:$0x13000] =	vst v63  }
.LBB2_21:
0x16f: {  	_ =	sfence.sel $0x180000  }
0x170: {  	[bflag:$0x0] =	sbarrier.arrive $0xFFFF  }
0x171: {  	p0 =	sne.s32 s1, $0x0;
	_ =	strace $0x90000047  }
0x172: {  	s0 =	sadd.s32 @!p0 $0x100000, s0;
	[bflag:$0x2] =	sbarrier.arrive $0xFFFF  }
0x173: {  	[sflag:s0] =	ssyncadd.tile.s32 @!p0 $0x1;
	_ =	shalt  }
.Lfunc_end2:
_tile_overlayer_lowered:
.L_overlay_start_2:
0x174: {  	(tag) =	ssettag $0x2  }
0x175: {  	s0 =	rddreg [dreg:$0x0];
	s2 =	stileid.u32  }
0x176: {  	s1 =	rddreg [dreg:$0x1];
	p0 =	sne.s32 s2, $0x0  }
0x177: {  	s3 =	rddreg [dreg:$0x2];
	[bflag:$0x3] =	sbarrier.arrive $0xFFFF;
	s2 =	simm.s32 @!p0 $0x1C05  }
0x178: {  	[timem:s3], [sflag:s2] =	dma.local @!p0 [hbm:s0], s1  }
0x179: {  	s0 =	simm.s32 @!p0 $0x5  }
0x17a: {  	_ =	swait.ge @!p0 [sflag:s0], s1  }
0x17b: {  	s1 =	ssub.s32 @!p0 $0x0, s1;
	[sflag:s0] =	ssyncset.done @!p0 $0x0  }
0x17c: {  	[sflag:s0] =	ssyncadd.s32 @!p0 s1  }
0x17d: {  	[bflag:$0x3] =	sbarrier.arrive $0xFFFF  }
0x17e: {  	_ =	shalt  }

</sc_bundles>
